<compile_context>
chip_gen: v7x
topology: tpu7x:2x2x1
jax: 0.10.2.dev20260603
libtpu: 0.0.44.dev20260713+nightly
codegen_flags: <defaults>
</compile_context>

<pallas_src>
import functools
import math

import jax
import jax.numpy as jnp
from jax import lax
from jax.experimental import pallas as pl
from jax.experimental.pallas import tpu as pltpu
from jax.experimental.pallas import tpu_sc as plsc

SCALE = 4.0
THRESHOLD = 0.2
_LOGIT_T = math.log(THRESHOLD / (1.0 - THRESHOLD))

N_INST, H, W = 64, 512, 512
NC, NS, L = 2, 16, 16
NW = NC * NS
IPW = N_INST // NW
CHUNK_ROWS = 64
CPI = H // CHUNK_ROWS
PAIRS = IPW * CPI // 2


def _masses_kernel(logits_hbm, out_hbm, buf0, buf1, out_v, sem0, sem1):
    wid = lax.axis_index("s") * NC + lax.axis_index("c")
    worker_row0 = wid * IPW * H

    bufs = (buf0, buf1)
    sems = (sem0, sem1)

    def start(g, b):
        pltpu.async_copy(
            logits_hbm.at[pl.ds(worker_row0 + g * CHUNK_ROWS, CHUNK_ROWS)],
            bufs[b],
            sems[b],
        )

    def wait(b):
        pltpu.make_async_copy(
            logits_hbm.at[pl.ds(0, CHUNK_ROWS)], bufs[b], sems[b]
        ).wait()

    lane_x0 = lax.iota(jnp.int32, L).astype(jnp.float32)
    zero_v = jnp.zeros((L,), jnp.float32)
    PACK = float(1 << 18)
    INV_PACK = 1.0 / PACK
    NACC = 8
    GROUPS = W // L // NACC

    def chunk_body(buf, row0, cnt, sx, sy):
        def row_body(r, carry):
            cnt, sx, sy = carry
            s = [None] * NACC
            xv = [lane_x0 + (PACK + 16.0 * k) for k in range(NACC)]
            for g in range(GROUPS):
                for k in range(NACC):
                    v = buf[r, pl.ds((g * NACC + k) * L, L)]
                    m = v > _LOGIT_T
                    t = jnp.where(m, xv[k], zero_v)
                    s[k] = t if g == 0 else s[k] + t
                if g + 1 < GROUPS:
                    xv = [x + float(NACC * L) for x in xv]
            while len(s) > 1:
                s = [a + b for a, b in zip(s[::2], s[1::2])]
            stot = s[0]
            rcf = (stot * INV_PACK).astype(jnp.int32).astype(jnp.float32)
            rx = stot - rcf * PACK
            y = (row0 + r).astype(jnp.float32)
            return (cnt + rcf, sx + rx, sy + y * rcf)

        return lax.fori_loop(0, CHUNK_ROWS, row_body, (cnt, sx, sy))

    start(0, 0)
    start(1, 1)

    def pair_body(p, carry):
        cnt, sx, sy = carry
        row0 = (2 * p) % CPI * CHUNK_ROWS
        for b in range(2):
            wait(b)

            @pl.when(p + 1 < PAIRS)
            def _():
                start(2 * p + 2 + b, b)

            cnt, sx, sy = chunk_body(bufs[b], row0 + b * CHUNK_ROWS,
                                     cnt, sx, sy)

        flush = (2 * p + 2) % CPI == 0

        @pl.when(flush)
        def _():
            off = (2 * p + 2) // CPI - 1
            for k, vec in enumerate((cnt, sx, sy)):
                out_v[pl.ds(off * (3 * L) + k * L, L)] = vec

        keep = jnp.where(flush, 0.0, 1.0)
        return (cnt * keep, sx * keep, sy * keep)

    lax.fori_loop(0, PAIRS, pair_body, (zero_v, zero_v, zero_v))
    pltpu.sync_copy(out_v, out_hbm.at[pl.ds(wid * (IPW * 3 * L), IPW * 3 * L)])


_masses = functools.partial(
    pl.kernel,
    out_type=jax.ShapeDtypeStruct((NW * IPW * 3 * L,), jnp.float32),
    mesh=plsc.VectorSubcoreMesh(core_axis_name="c", subcore_axis_name="s"),
    scratch_types=[
        pltpu.VMEM((CHUNK_ROWS, W), jnp.float32),
        pltpu.VMEM((CHUNK_ROWS, W), jnp.float32),
        pltpu.VMEM((IPW * 3 * L,), jnp.float32),
        pltpu.SemaphoreType.DMA,
        pltpu.SemaphoreType.DMA,
    ],
    compiler_params=pltpu.CompilerParams(use_tc_tiling_on_sc=True,
                                         skip_device_barrier=True,
                                         vmem_limit_bytes=4 * 1024 * 1024),
)(_masses_kernel)


def _inv3(K):
    a, b, c = K[0, 0], K[0, 1], K[0, 2]
    d, e, f = K[1, 0], K[1, 1], K[1, 2]
    g, h, i = K[2, 0], K[2, 1], K[2, 2]
    A = e * i - f * h
    B = c * h - b * i
    C = b * f - c * e
    D = f * g - d * i
    E = a * i - c * g
    F = c * d - a * f
    G = d * h - e * g
    Hc = b * g - a * h
    I = a * e - b * d
    det = a * A + b * D + c * G
    return jnp.array([[A, B, C], [D, E, F], [G, Hc, I]]) / det


def kernel(logits, mean_depths, K):
    n = logits.shape[0]
    flat = logits.reshape(n * H, W)
    mass = _masses(flat).reshape(n, 3, L).sum(axis=-1)
    counts, sum_x, sum_y = mass[:, 0], mass[:, 1], mass[:, 2]
    denom = jnp.maximum(counts, 1.0)
    mean_x = sum_x / denom * SCALE
    mean_y = sum_y / denom * SCALE
    ones = jnp.ones((n,), jnp.float32)
    xy1 = jnp.stack([mean_x, mean_y, ones], axis=1)
    return (xy1 @ _inv3(K).T) * mean_depths

# --- scband reference (transcript-rebuilt; emitter-appended) ---
"""Pipeline reference for scband-depth-projection-40286793237150 (READ-ONLY COPY).

The authoritative reference and input builder live on the scoring server;
editing this copy changes nothing except your own understanding.
"""

import jax, jax.numpy as jnp
import numpy as np

MAX_DEPTH = 80.0
SCALE = 4.0
THRESHOLD = 0.2
N, H, W = 64, 512, 512


def setup_inputs(seed: int = 0) -> dict:
    key = jax.random.key(seed)
    k1, k2 = jax.random.split(key, 2)
    logits = jax.random.normal(k1, (N, H, W), dtype=jnp.float32)
    mean_depths = jax.random.uniform(k2, (N, 1), dtype=jnp.float32) * MAX_DEPTH
    fx, fy = 1000.0, 1000.0
    cx, cy = W * SCALE / 2.0, H * SCALE / 2.0
    K = jnp.array([[fx, 0.0, cx], [0.0, fy, cy], [0.0, 0.0, 1.0]], dtype=jnp.float32)
    return {"logits": logits, "mean_depths": mean_depths, "K": K}


def reference(logits, mean_depths, K):
    # masks = sigmoid(logits) > threshold
    masks = (jax.nn.sigmoid(logits) > THRESHOLD).astype(jnp.float32)
    n, h, w = logits.shape
    # per-instance mass center == segment-mean of (x, y) pixel coords over the
    # binary mask, computed as a masked weighted reduction (equivalent to the
    # argwhere/split/mean in the original, but fixed-shape for jit).
    ys = jnp.arange(h, dtype=jnp.float32)[None, :, None]
    xs = jnp.arange(w, dtype=jnp.float32)[None, None, :]
    counts = jnp.sum(masks, axis=(1, 2))
    denom = jnp.maximum(counts, 1.0)
    mean_x = jnp.sum(masks * xs, axis=(1, 2)) / denom * SCALE
    mean_y = jnp.sum(masks * ys, axis=(1, 2)) / denom * SCALE
    xy_means = jnp.stack([mean_x, mean_y], axis=1)  # (n, 2)
    points_xyd = jnp.concatenate([xy_means, mean_depths], axis=1)  # (n, 3)
    # unproject: world = depth * K^{-1} @ [x, y, 1]
    ones = jnp.ones((n, 1), dtype=jnp.float32)
    xy1 = jnp.concatenate([points_xyd[:, :2], ones], axis=1)  # (n, 3)
    Kinv = jnp.linalg.inv(K)
    points_world = (xy1 @ Kinv.T) * points_xyd[:, 2:3]
    return points_world

if __name__ == "__main__":
    import jax
    _d = setup_inputs()
    print(jax.jit(kernel)(*tuple(_d.values())))

</pallas_src>

<mosaic_0001>
#map = affine_map<(d0, d1) -> (0, 0)>
#map1 = affine_map<(d0, d1) -> (0)>
module attributes {stable_mosaic.version = 14 : i64} {
  func.func @_masses_kernel(%arg0: i32, %arg1: i32, %arg2: memref<32768x512xf32, #tpu.memory_space<hbm>>, %arg3: memref<3072xf32, #tpu.memory_space<hbm>>, %arg4: memref<64x512xf32, #tpu.memory_space<vmem>>, %arg5: memref<64x512xf32, #tpu.memory_space<vmem>>, %arg6: memref<96xf32, #tpu.memory_space<vmem>>, %arg7: memref<!tpu.dma_semaphore, #tpu.memory_space<semaphore_mem>>, %arg8: memref<!tpu.dma_semaphore, #tpu.memory_space<semaphore_mem>>) attributes {dimension_semantics = [#tpu.dimension_semantics<core_parallel>, #tpu.dimension_semantics<subcore_parallel>], iteration_bounds = array<i64: 2, 16>, scalar_prefetch = 0 : i64, scratch_operands = 5 : i64, tpu.core_type = #tpu.core_type<sc_vector_subcore>, window_params = [{transform_indices = #map}, {transform_indices = #map1}]} {
    %mul3A = arith.constant 2 : i32
    %mul3A_0 = arith.muli %arg1, %mul3A : i32
    %add3A = arith.addi %mul3A_0, %arg0 : i32
    %mul3A_1 = arith.constant 2 : i32
    %mul3A_2 = arith.muli %add3A, %mul3A_1 : i32
    %mul3A_3 = arith.constant 512 : i32
    %mul3A_4 = arith.muli %mul3A_2, %mul3A_3 : i32
    %iota3A = tpu.iota {dimensions = array<i32: 0>} : vector<16xi32>
    %convert_element_type3A = arith.sitofp %iota3A : vector<16xi32> to vector<16xf32>
    %broadcast_in_dim3A = arith.constant 0.000000e+00 : f32
    %broadcast_in_dim3A_5 = vector.broadcast %broadcast_in_dim3A : f32 to vector<16xf32>
    %add3A_6 = arith.constant 0 : i32
    %add3A_7 = arith.addi %mul3A_4, %add3A_6 : i32
    %dma_start3A = arith.constant 0 : i32
    %dma_start3A_8 = tpu.memref_slice %arg2[%add3A_7, %dma_start3A] : memref<32768x512xf32, #tpu.memory_space<hbm>> -> memref<64x512xf32, #tpu.memory_space<hbm>>
    %dma_start3A_9 = arith.constant 0 : i32
    %dma_start3A_10 = tpu.memref_slice %arg2[%add3A_7, %dma_start3A_9] : memref<32768x512xf32, #tpu.memory_space<hbm>> -> memref<64x512xf32, #tpu.memory_space<hbm>>
    tpu.enqueue_dma source(%dma_start3A_10 : memref<64x512xf32, #tpu.memory_space<hbm>>) target(%arg4 : memref<64x512xf32, #tpu.memory_space<vmem>>) target_semaphore(%arg7 : memref<!tpu.dma_semaphore, #tpu.memory_space<semaphore_mem>>)
    %add3A_11 = arith.constant 64 : i32
    %add3A_12 = arith.addi %mul3A_4, %add3A_11 : i32
    %dma_start3A_13 = arith.constant 0 : i32
    %dma_start3A_14 = tpu.memref_slice %arg2[%add3A_12, %dma_start3A_13] : memref<32768x512xf32, #tpu.memory_space<hbm>> -> memref<64x512xf32, #tpu.memory_space<hbm>>
    %dma_start3A_15 = arith.constant 0 : i32
    %dma_start3A_16 = tpu.memref_slice %arg2[%add3A_12, %dma_start3A_15] : memref<32768x512xf32, #tpu.memory_space<hbm>> -> memref<64x512xf32, #tpu.memory_space<hbm>>
    tpu.enqueue_dma source(%dma_start3A_16 : memref<64x512xf32, #tpu.memory_space<hbm>>) target(%arg5 : memref<64x512xf32, #tpu.memory_space<vmem>>) target_semaphore(%arg8 : memref<!tpu.dma_semaphore, #tpu.memory_space<semaphore_mem>>)
    %scan3A = arith.constant 0 : i32
    %scan3A_17 = arith.constant 8 : i32
    %scan3A_18 = arith.addi %scan3A, %scan3A_17 : i32
    %scan3A_19 = arith.constant 1 : i32
    %scan3A_20:3 = scf.for %scan3A_24 = %scan3A to %scan3A_18 step %scan3A_19 iter_args(%scan3A_25 = %broadcast_in_dim3A_5, %scan3A_26 = %broadcast_in_dim3A_5, %scan3A_27 = %broadcast_in_dim3A_5) -> (vector<16xf32>, vector<16xf32>, vector<16xf32>)  : i32 {
      %mul3A_28 = arith.constant 2 : i32
      %mul3A_29 = arith.muli %mul3A_28, %scan3A_24 : i32
      %jit3A = arith.constant 8 : i32
      %eq3A = arith.constant 0 : i32
      %eq3A_30 = arith.cmpi eq, %jit3A, %eq3A : i32
      %jit3A_31 = arith.constant 1 : i32
      %select_n3A = arith.select %eq3A_30, %jit3A_31, %jit3A : i32
      %rem3A = arith.remsi %mul3A_29, %select_n3A : i32
      %ne3A = arith.constant 0 : i32
      %ne3A_32 = arith.cmpi ne, %rem3A, %ne3A : i32
      %lt3A = arith.constant 0 : i32
      %lt3A_33 = arith.cmpi slt, %rem3A, %lt3A : i32
      %lt3A_34 = arith.constant 0 : i32
      %lt3A_35 = arith.cmpi slt, %select_n3A, %lt3A_34 : i32
      %ne3A_36 = arith.xori %lt3A_33, %lt3A_35 : i1
      %and3A = arith.andi %ne3A_36, %ne3A_32 : i1
      %add3A_37 = arith.addi %rem3A, %select_n3A : i32
      %select_n3A_38 = arith.select %and3A, %add3A_37, %rem3A : i32
      %mul3A_39 = arith.constant 64 : i32
      %mul3A_40 = arith.muli %select_n3A_38, %mul3A_39 : i32
      %dma_wait3A = arith.constant 0 : i32
      %dma_wait3A_41 = arith.constant 0 : i32
      %dma_wait3A_42 = tpu.memref_slice %arg2[%dma_wait3A, %dma_wait3A_41] : memref<32768x512xf32, #tpu.memory_space<hbm>> -> memref<64x512xf32, #tpu.memory_space<hbm>>
      %dma_wait3A_43 = arith.constant 0 : i32
      %dma_wait3A_44 = arith.constant 0 : i32
      %dma_wait3A_45 = tpu.memref_slice %arg2[%dma_wait3A_43, %dma_wait3A_44] : memref<32768x512xf32, #tpu.memory_space<hbm>> -> memref<64x512xf32, #tpu.memory_space<hbm>>
      tpu.wait_dma2 semaphore(%arg7 : memref<!tpu.dma_semaphore, #tpu.memory_space<semaphore_mem>>) src(%dma_wait3A_45 : memref<64x512xf32, #tpu.memory_space<hbm>>) dst(%arg4 : memref<64x512xf32, #tpu.memory_space<vmem>>)
      %add3A_46 = arith.constant 1 : i32
      %add3A_47 = arith.addi %scan3A_24, %add3A_46 : i32
      %lt3A_48 = arith.constant 8 : i32
      %lt3A_49 = arith.cmpi slt, %add3A_47, %lt3A_48 : i32
      %convert_element_type3A_50 = arith.extui %lt3A_49 : i1 to i32
      %cond3A = arith.constant 0 : i32
      %cond3A_51 = arith.cmpi ne, %convert_element_type3A_50, %cond3A : i32
      scf.if %cond3A_51 {
        %mul3A_115 = arith.constant 2 : i32
        %mul3A_116 = arith.muli %mul3A_115, %scan3A_24 : i32
        %add3A_117 = arith.constant 2 : i32
        %add3A_118 = arith.addi %mul3A_116, %add3A_117 : i32
        %add3A_119 = arith.constant 0 : i32
        %add3A_120 = arith.addi %add3A_118, %add3A_119 : i32
        %mul3A_121 = arith.constant 64 : i32
        %mul3A_122 = arith.muli %add3A_120, %mul3A_121 : i32
        %add3A_123 = arith.addi %mul3A_4, %mul3A_122 : i32
        %dma_start3A_124 = arith.constant 0 : i32
        %dma_start3A_125 = tpu.memref_slice %arg2[%add3A_123, %dma_start3A_124] : memref<32768x512xf32, #tpu.memory_space<hbm>> -> memref<64x512xf32, #tpu.memory_space<hbm>>
        %dma_start3A_126 = arith.constant 0 : i32
        %dma_start3A_127 = tpu.memref_slice %arg2[%add3A_123, %dma_start3A_126] : memref<32768x512xf32, #tpu.memory_space<hbm>> -> memref<64x512xf32, #tpu.memory_space<hbm>>
        tpu.enqueue_dma source(%dma_start3A_127 : memref<64x512xf32, #tpu.memory_space<hbm>>) target(%arg4 : memref<64x512xf32, #tpu.memory_space<vmem>>) target_semaphore(%arg7 : memref<!tpu.dma_semaphore, #tpu.memory_space<semaphore_mem>>)
      } else {
      }
      %add3A_52 = arith.constant 0 : i32
      %add3A_53 = arith.addi %mul3A_40, %add3A_52 : i32
      %scan3A_54 = arith.constant 0 : i32
      %scan3A_55 = arith.constant 64 : i32
      %scan3A_56 = arith.addi %scan3A_54, %scan3A_55 : i32
      %scan3A_57 = arith.constant 1 : i32
      %scan3A_58:3 = scf.for %scan3A_115 = %scan3A_54 to %scan3A_56 step %scan3A_57 iter_args(%scan3A_116 = %scan3A_25, %scan3A_117 = %scan3A_26, %scan3A_118 = %scan3A_27) -> (vector<16xf32>, vector<16xf32>, vector<16xf32>)  : i32 {
        %add3A_119 = arith.constant 2.621440e+05 : f32
        %add3A_120 = vector.broadcast %add3A_119 : f32 to vector<16xf32>
        %add3A_121 = arith.addf %convert_element_type3A, %add3A_120 : vector<16xf32>
        %add3A_122 = arith.constant 2.621600e+05 : f32
        %add3A_123 = vector.broadcast %add3A_122 : f32 to vector<16xf32>
        %add3A_124 = arith.addf %convert_element_type3A, %add3A_123 : vector<16xf32>
        %add3A_125 = arith.constant 2.621760e+05 : f32
        %add3A_126 = vector.broadcast %add3A_125 : f32 to vector<16xf32>
        %add3A_127 = arith.addf %convert_element_type3A, %add3A_126 : vector<16xf32>
        %add3A_128 = arith.constant 2.621920e+05 : f32
        %add3A_129 = vector.broadcast %add3A_128 : f32 to vector<16xf32>
        %add3A_130 = arith.addf %convert_element_type3A, %add3A_129 : vector<16xf32>
        %add3A_131 = arith.constant 2.622080e+05 : f32
        %add3A_132 = vector.broadcast %add3A_131 : f32 to vector<16xf32>
        %add3A_133 = arith.addf %convert_element_type3A, %add3A_132 : vector<16xf32>
        %add3A_134 = arith.constant 2.622240e+05 : f32
        %add3A_135 = vector.broadcast %add3A_134 : f32 to vector<16xf32>
        %add3A_136 = arith.addf %convert_element_type3A, %add3A_135 : vector<16xf32>
        %add3A_137 = arith.constant 2.622400e+05 : f32
        %add3A_138 = vector.broadcast %add3A_137 : f32 to vector<16xf32>
        %add3A_139 = arith.addf %convert_element_type3A, %add3A_138 : vector<16xf32>
        %add3A_140 = arith.constant 2.622560e+05 : f32
        %add3A_141 = vector.broadcast %add3A_140 : f32 to vector<16xf32>
        %add3A_142 = arith.addf %convert_element_type3A, %add3A_141 : vector<16xf32>
        %get3A = arith.index_cast %scan3A_115 : i32 to index
        %get3A_143 = arith.constant 0 : index
        %get3A_144 = tpu.vector_load %arg4[%get3A, %get3A_143] {strides = array<i32>} : memref<64x512xf32, #tpu.memory_space<vmem>>, vector<1x16xf32>,
        %get3A_145 = vector.shape_cast %get3A_144 : vector<1x16xf32> to vector<16xf32>
        %gt3A = arith.constant -1.38629436 : f32
        %gt3A_146 = vector.broadcast %gt3A : f32 to vector<16xf32>
        %gt3A_147 = arith.cmpf ogt, %get3A_145, %gt3A_146 : vector<16xf32>
        %select_n3A_148 = arith.select %gt3A_147, %add3A_121, %broadcast_in_dim3A_5 : vector<16xi1>, vector<16xf32>
        %get3A_149 = arith.index_cast %scan3A_115 : i32 to index
        %get3A_150 = arith.constant 16 : index
        %get3A_151 = tpu.vector_load %arg4[%get3A_149, %get3A_150] {strides = array<i32>} : memref<64x512xf32, #tpu.memory_space<vmem>>, vector<1x16xf32>,
        %get3A_152 = vector.shape_cast %get3A_151 : vector<1x16xf32> to vector<16xf32>
        %gt3A_153 = arith.constant -1.38629436 : f32
        %gt3A_154 = vector.broadcast %gt3A_153 : f32 to vector<16xf32>
        %gt3A_155 = arith.cmpf ogt, %get3A_152, %gt3A_154 : vector<16xf32>
        %select_n3A_156 = arith.select %gt3A_155, %add3A_124, %broadcast_in_dim3A_5 : vector<16xi1>, vector<16xf32>
        %get3A_157 = arith.index_cast %scan3A_115 : i32 to index
        %get3A_158 = arith.constant 32 : index
        %get3A_159 = tpu.vector_load %arg4[%get3A_157, %get3A_158] {strides = array<i32>} : memref<64x512xf32, #tpu.memory_space<vmem>>, vector<1x16xf32>,
        %get3A_160 = vector.shape_cast %get3A_159 : vector<1x16xf32> to vector<16xf32>
        %gt3A_161 = arith.constant -1.38629436 : f32
        %gt3A_162 = vector.broadcast %gt3A_161 : f32 to vector<16xf32>
        %gt3A_163 = arith.cmpf ogt, %get3A_160, %gt3A_162 : vector<16xf32>
        %select_n3A_164 = arith.select %gt3A_163, %add3A_127, %broadcast_in_dim3A_5 : vector<16xi1>, vector<16xf32>
        %get3A_165 = arith.index_cast %scan3A_115 : i32 to index
        %get3A_166 = arith.constant 48 : index
        %get3A_167 = tpu.vector_load %arg4[%get3A_165, %get3A_166] {strides = array<i32>} : memref<64x512xf32, #tpu.memory_space<vmem>>, vector<1x16xf32>,
        %get3A_168 = vector.shape_cast %get3A_167 : vector<1x16xf32> to vector<16xf32>
        %gt3A_169 = arith.constant -1.38629436 : f32
        %gt3A_170 = vector.broadcast %gt3A_169 : f32 to vector<16xf32>
        %gt3A_171 = arith.cmpf ogt, %get3A_168, %gt3A_170 : vector<16xf32>
        %select_n3A_172 = arith.select %gt3A_171, %add3A_130, %broadcast_in_dim3A_5 : vector<16xi1>, vector<16xf32>
        %get3A_173 = arith.index_cast %scan3A_115 : i32 to index
        %get3A_174 = arith.constant 64 : index
        %get3A_175 = tpu.vector_load %arg4[%get3A_173, %get3A_174] {strides = array<i32>} : memref<64x512xf32, #tpu.memory_space<vmem>>, vector<1x16xf32>,
        %get3A_176 = vector.shape_cast %get3A_175 : vector<1x16xf32> to vector<16xf32>
        %gt3A_177 = arith.constant -1.38629436 : f32
        %gt3A_178 = vector.broadcast %gt3A_177 : f32 to vector<16xf32>
        %gt3A_179 = arith.cmpf ogt, %get3A_176, %gt3A_178 : vector<16xf32>
        %select_n3A_180 = arith.select %gt3A_179, %add3A_133, %broadcast_in_dim3A_5 : vector<16xi1>, vector<16xf32>
        %get3A_181 = arith.index_cast %scan3A_115 : i32 to index
        %get3A_182 = arith.constant 80 : index
        %get3A_183 = tpu.vector_load %arg4[%get3A_181, %get3A_182] {strides = array<i32>} : memref<64x512xf32, #tpu.memory_space<vmem>>, vector<1x16xf32>,
        %get3A_184 = vector.shape_cast %get3A_183 : vector<1x16xf32> to vector<16xf32>
        %gt3A_185 = arith.constant -1.38629436 : f32
        %gt3A_186 = vector.broadcast %gt3A_185 : f32 to vector<16xf32>
        %gt3A_187 = arith.cmpf ogt, %get3A_184, %gt3A_186 : vector<16xf32>
        %select_n3A_188 = arith.select %gt3A_187, %add3A_136, %broadcast_in_dim3A_5 : vector<16xi1>, vector<16xf32>
        %get3A_189 = arith.index_cast %scan3A_115 : i32 to index
        %get3A_190 = arith.constant 96 : index
        %get3A_191 = tpu.vector_load %arg4[%get3A_189, %get3A_190] {strides = array<i32>} : memref<64x512xf32, #tpu.memory_space<vmem>>, vector<1x16xf32>,
        %get3A_192 = vector.shape_cast %get3A_191 : vector<1x16xf32> to vector<16xf32>
        %gt3A_193 = arith.constant -1.38629436 : f32
        %gt3A_194 = vector.broadcast %gt3A_193 : f32 to vector<16xf32>
        %gt3A_195 = arith.cmpf ogt, %get3A_192, %gt3A_194 : vector<16xf32>
        %select_n3A_196 = arith.select %gt3A_195, %add3A_139, %broadcast_in_dim3A_5 : vector<16xi1>, vector<16xf32>
        %get3A_197 = arith.index_cast %scan3A_115 : i32 to index
        %get3A_198 = arith.constant 112 : index
        %get3A_199 = tpu.vector_load %arg4[%get3A_197, %get3A_198] {strides = array<i32>} : memref<64x512xf32, #tpu.memory_space<vmem>>, vector<1x16xf32>,
        %get3A_200 = vector.shape_cast %get3A_199 : vector<1x16xf32> to vector<16xf32>
        %gt3A_201 = arith.constant -1.38629436 : f32
        %gt3A_202 = vector.broadcast %gt3A_201 : f32 to vector<16xf32>
        %gt3A_203 = arith.cmpf ogt, %get3A_200, %gt3A_202 : vector<16xf32>
        %select_n3A_204 = arith.select %gt3A_203, %add3A_142, %broadcast_in_dim3A_5 : vector<16xi1>, vector<16xf32>
        %add3A_205 = arith.constant 1.280000e+02 : f32
        %add3A_206 = vector.broadcast %add3A_205 : f32 to vector<16xf32>
        %add3A_207 = arith.addf %add3A_121, %add3A_206 : vector<16xf32>
        %add3A_208 = arith.constant 1.280000e+02 : f32
        %add3A_209 = vector.broadcast %add3A_208 : f32 to vector<16xf32>
        %add3A_210 = arith.addf %add3A_124, %add3A_209 : vector<16xf32>
        %add3A_211 = arith.constant 1.280000e+02 : f32
        %add3A_212 = vector.broadcast %add3A_211 : f32 to vector<16xf32>
        %add3A_213 = arith.addf %add3A_127, %add3A_212 : vector<16xf32>
        %add3A_214 = arith.constant 1.280000e+02 : f32
        %add3A_215 = vector.broadcast %add3A_214 : f32 to vector<16xf32>
        %add3A_216 = arith.addf %add3A_130, %add3A_215 : vector<16xf32>
        %add3A_217 = arith.constant 1.280000e+02 : f32
        %add3A_218 = vector.broadcast %add3A_217 : f32 to vector<16xf32>
        %add3A_219 = arith.addf %add3A_133, %add3A_218 : vector<16xf32>
        %add3A_220 = arith.constant 1.280000e+02 : f32
        %add3A_221 = vector.broadcast %add3A_220 : f32 to vector<16xf32>
        %add3A_222 = arith.addf %add3A_136, %add3A_221 : vector<16xf32>
        %add3A_223 = arith.constant 1.280000e+02 : f32
        %add3A_224 = vector.broadcast %add3A_223 : f32 to vector<16xf32>
        %add3A_225 = arith.addf %add3A_139, %add3A_224 : vector<16xf32>
        %add3A_226 = arith.constant 1.280000e+02 : f32
        %add3A_227 = vector.broadcast %add3A_226 : f32 to vector<16xf32>
        %add3A_228 = arith.addf %add3A_142, %add3A_227 : vector<16xf32>
        %get3A_229 = arith.index_cast %scan3A_115 : i32 to index
        %get3A_230 = arith.constant 128 : index
        %get3A_231 = tpu.vector_load %arg4[%get3A_229, %get3A_230] {strides = array<i32>} : memref<64x512xf32, #tpu.memory_space<vmem>>, vector<1x16xf32>,
        %get3A_232 = vector.shape_cast %get3A_231 : vector<1x16xf32> to vector<16xf32>
        %gt3A_233 = arith.constant -1.38629436 : f32
        %gt3A_234 = vector.broadcast %gt3A_233 : f32 to vector<16xf32>
        %gt3A_235 = arith.cmpf ogt, %get3A_232, %gt3A_234 : vector<16xf32>
        %select_n3A_236 = arith.select %gt3A_235, %add3A_207, %broadcast_in_dim3A_5 : vector<16xi1>, vector<16xf32>
        %add3A_237 = arith.addf %select_n3A_148, %select_n3A_236 : vector<16xf32>
        %get3A_238 = arith.index_cast %scan3A_115 : i32 to index
        %get3A_239 = arith.constant 144 : index
        %get3A_240 = tpu.vector_load %arg4[%get3A_238, %get3A_239] {strides = array<i32>} : memref<64x512xf32, #tpu.memory_space<vmem>>, vector<1x16xf32>,
        %get3A_241 = vector.shape_cast %get3A_240 : vector<1x16xf32> to vector<16xf32>
        %gt3A_242 = arith.constant -1.38629436 : f32
        %gt3A_243 = vector.broadcast %gt3A_242 : f32 to vector<16xf32>
        %gt3A_244 = arith.cmpf ogt, %get3A_241, %gt3A_243 : vector<16xf32>
        %select_n3A_245 = arith.select %gt3A_244, %add3A_210, %broadcast_in_dim3A_5 : vector<16xi1>, vector<16xf32>
        %add3A_246 = arith.addf %select_n3A_156, %select_n3A_245 : vector<16xf32>
        %get3A_247 = arith.index_cast %scan3A_115 : i32 to index
        %get3A_248 = arith.constant 160 : index
        %get3A_249 = tpu.vector_load %arg4[%get3A_247, %get3A_248] {strides = array<i32>} : memref<64x512xf32, #tpu.memory_space<vmem>>, vector<1x16xf32>,
        %get3A_250 = vector.shape_cast %get3A_249 : vector<1x16xf32> to vector<16xf32>
        %gt3A_251 = arith.constant -1.38629436 : f32
        %gt3A_252 = vector.broadcast %gt3A_251 : f32 to vector<16xf32>
        %gt3A_253 = arith.cmpf ogt, %get3A_250, %gt3A_252 : vector<16xf32>
        %select_n3A_254 = arith.select %gt3A_253, %add3A_213, %broadcast_in_dim3A_5 : vector<16xi1>, vector<16xf32>
        %add3A_255 = arith.addf %select_n3A_164, %select_n3A_254 : vector<16xf32>
        %get3A_256 = arith.index_cast %scan3A_115 : i32 to index
        %get3A_257 = arith.constant 176 : index
        %get3A_258 = tpu.vector_load %arg4[%get3A_256, %get3A_257] {strides = array<i32>} : memref<64x512xf32, #tpu.memory_space<vmem>>, vector<1x16xf32>,
        %get3A_259 = vector.shape_cast %get3A_258 : vector<1x16xf32> to vector<16xf32>
        %gt3A_260 = arith.constant -1.38629436 : f32
        %gt3A_261 = vector.broadcast %gt3A_260 : f32 to vector<16xf32>
        %gt3A_262 = arith.cmpf ogt, %get3A_259, %gt3A_261 : vector<16xf32>
        %select_n3A_263 = arith.select %gt3A_262, %add3A_216, %broadcast_in_dim3A_5 : vector<16xi1>, vector<16xf32>
        %add3A_264 = arith.addf %select_n3A_172, %select_n3A_263 : vector<16xf32>
        %get3A_265 = arith.index_cast %scan3A_115 : i32 to index
        %get3A_266 = arith.constant 192 : index
        %get3A_267 = tpu.vector_load %arg4[%get3A_265, %get3A_266] {strides = array<i32>} : memref<64x512xf32, #tpu.memory_space<vmem>>, vector<1x16xf32>,
        %get3A_268 = vector.shape_cast %get3A_267 : vector<1x16xf32> to vector<16xf32>
        %gt3A_269 = arith.constant -1.38629436 : f32
        %gt3A_270 = vector.broadcast %gt3A_269 : f32 to vector<16xf32>
        %gt3A_271 = arith.cmpf ogt, %get3A_268, %gt3A_270 : vector<16xf32>
        %select_n3A_272 = arith.select %gt3A_271, %add3A_219, %broadcast_in_dim3A_5 : vector<16xi1>, vector<16xf32>
        %add3A_273 = arith.addf %select_n3A_180, %select_n3A_272 : vector<16xf32>
        %get3A_274 = arith.index_cast %scan3A_115 : i32 to index
        %get3A_275 = arith.constant 208 : index
        %get3A_276 = tpu.vector_load %arg4[%get3A_274, %get3A_275] {strides = array<i32>} : memref<64x512xf32, #tpu.memory_space<vmem>>, vector<1x16xf32>,
        %get3A_277 = vector.shape_cast %get3A_276 : vector<1x16xf32> to vector<16xf32>
        %gt3A_278 = arith.constant -1.38629436 : f32
        %gt3A_279 = vector.broadcast %gt3A_278 : f32 to vector<16xf32>
        %gt3A_280 = arith.cmpf ogt, %get3A_277, %gt3A_279 : vector<16xf32>
        %select_n3A_281 = arith.select %gt3A_280, %add3A_222, %broadcast_in_dim3A_5 : vector<16xi1>, vector<16xf32>
        %add3A_282 = arith.addf %select_n3A_188, %select_n3A_281 : vector<16xf32>
        %get3A_283 = arith.index_cast %scan3A_115 : i32 to index
        %get3A_284 = arith.constant 224 : index
        %get3A_285 = tpu.vector_load %arg4[%get3A_283, %get3A_284] {strides = array<i32>} : memref<64x512xf32, #tpu.memory_space<vmem>>, vector<1x16xf32>,
        %get3A_286 = vector.shape_cast %get3A_285 : vector<1x16xf32> to vector<16xf32>
        %gt3A_287 = arith.constant -1.38629436 : f32
        %gt3A_288 = vector.broadcast %gt3A_287 : f32 to vector<16xf32>
        %gt3A_289 = arith.cmpf ogt, %get3A_286, %gt3A_288 : vector<16xf32>
        %select_n3A_290 = arith.select %gt3A_289, %add3A_225, %broadcast_in_dim3A_5 : vector<16xi1>, vector<16xf32>
        %add3A_291 = arith.addf %select_n3A_196, %select_n3A_290 : vector<16xf32>
        %get3A_292 = arith.index_cast %scan3A_115 : i32 to index
        %get3A_293 = arith.constant 240 : index
        %get3A_294 = tpu.vector_load %arg4[%get3A_292, %get3A_293] {strides = array<i32>} : memref<64x512xf32, #tpu.memory_space<vmem>>, vector<1x16xf32>,
        %get3A_295 = vector.shape_cast %get3A_294 : vector<1x16xf32> to vector<16xf32>
        %gt3A_296 = arith.constant -1.38629436 : f32
        %gt3A_297 = vector.broadcast %gt3A_296 : f32 to vector<16xf32>
        %gt3A_298 = arith.cmpf ogt, %get3A_295, %gt3A_297 : vector<16xf32>
        %select_n3A_299 = arith.select %gt3A_298, %add3A_228, %broadcast_in_dim3A_5 : vector<16xi1>, vector<16xf32>
        %add3A_300 = arith.addf %select_n3A_204, %select_n3A_299 : vector<16xf32>
        %add3A_301 = arith.constant 1.280000e+02 : f32
        %add3A_302 = vector.broadcast %add3A_301 : f32 to vector<16xf32>
        %add3A_303 = arith.addf %add3A_207, %add3A_302 : vector<16xf32>
        %add3A_304 = arith.constant 1.280000e+02 : f32
        %add3A_305 = vector.broadcast %add3A_304 : f32 to vector<16xf32>
        %add3A_306 = arith.addf %add3A_210, %add3A_305 : vector<16xf32>
        %add3A_307 = arith.constant 1.280000e+02 : f32
        %add3A_308 = vector.broadcast %add3A_307 : f32 to vector<16xf32>
        %add3A_309 = arith.addf %add3A_213, %add3A_308 : vector<16xf32>
        %add3A_310 = arith.constant 1.280000e+02 : f32
        %add3A_311 = vector.broadcast %add3A_310 : f32 to vector<16xf32>
        %add3A_312 = arith.addf %add3A_216, %add3A_311 : vector<16xf32>
        %add3A_313 = arith.constant 1.280000e+02 : f32
        %add3A_314 = vector.broadcast %add3A_313 : f32 to vector<16xf32>
        %add3A_315 = arith.addf %add3A_219, %add3A_314 : vector<16xf32>
        %add3A_316 = arith.constant 1.280000e+02 : f32
        %add3A_317 = vector.broadcast %add3A_316 : f32 to vector<16xf32>
        %add3A_318 = arith.addf %add3A_222, %add3A_317 : vector<16xf32>
        %add3A_319 = arith.constant 1.280000e+02 : f32
        %add3A_320 = vector.broadcast %add3A_319 : f32 to vector<16xf32>
        %add3A_321 = arith.addf %add3A_225, %add3A_320 : vector<16xf32>
        %add3A_322 = arith.constant 1.280000e+02 : f32
        %add3A_323 = vector.broadcast %add3A_322 : f32 to vector<16xf32>
        %add3A_324 = arith.addf %add3A_228, %add3A_323 : vector<16xf32>
        %get3A_325 = arith.index_cast %scan3A_115 : i32 to index
        %get3A_326 = arith.constant 256 : index
        %get3A_327 = tpu.vector_load %arg4[%get3A_325, %get3A_326] {strides = array<i32>} : memref<64x512xf32, #tpu.memory_space<vmem>>, vector<1x16xf32>,
        %get3A_328 = vector.shape_cast %get3A_327 : vector<1x16xf32> to vector<16xf32>
        %gt3A_329 = arith.constant -1.38629436 : f32
        %gt3A_330 = vector.broadcast %gt3A_329 : f32 to vector<16xf32>
        %gt3A_331 = arith.cmpf ogt, %get3A_328, %gt3A_330 : vector<16xf32>
        %select_n3A_332 = arith.select %gt3A_331, %add3A_303, %broadcast_in_dim3A_5 : vector<16xi1>, vector<16xf32>
        %add3A_333 = arith.addf %add3A_237, %select_n3A_332 : vector<16xf32>
        %get3A_334 = arith.index_cast %scan3A_115 : i32 to index
        %get3A_335 = arith.constant 272 : index
        %get3A_336 = tpu.vector_load %arg4[%get3A_334, %get3A_335] {strides = array<i32>} : memref<64x512xf32, #tpu.memory_space<vmem>>, vector<1x16xf32>,
        %get3A_337 = vector.shape_cast %get3A_336 : vector<1x16xf32> to vector<16xf32>
        %gt3A_338 = arith.constant -1.38629436 : f32
        %gt3A_339 = vector.broadcast %gt3A_338 : f32 to vector<16xf32>
        %gt3A_340 = arith.cmpf ogt, %get3A_337, %gt3A_339 : vector<16xf32>
        %select_n3A_341 = arith.select %gt3A_340, %add3A_306, %broadcast_in_dim3A_5 : vector<16xi1>, vector<16xf32>
        %add3A_342 = arith.addf %add3A_246, %select_n3A_341 : vector<16xf32>
        %get3A_343 = arith.index_cast %scan3A_115 : i32 to index
        %get3A_344 = arith.constant 288 : index
        %get3A_345 = tpu.vector_load %arg4[%get3A_343, %get3A_344] {strides = array<i32>} : memref<64x512xf32, #tpu.memory_space<vmem>>, vector<1x16xf32>,
        %get3A_346 = vector.shape_cast %get3A_345 : vector<1x16xf32> to vector<16xf32>
        %gt3A_347 = arith.constant -1.38629436 : f32
        %gt3A_348 = vector.broadcast %gt3A_347 : f32 to vector<16xf32>
        %gt3A_349 = arith.cmpf ogt, %get3A_346, %gt3A_348 : vector<16xf32>
        %select_n3A_350 = arith.select %gt3A_349, %add3A_309, %broadcast_in_dim3A_5 : vector<16xi1>, vector<16xf32>
        %add3A_351 = arith.addf %add3A_255, %select_n3A_350 : vector<16xf32>
        %get3A_352 = arith.index_cast %scan3A_115 : i32 to index
        %get3A_353 = arith.constant 304 : index
        %get3A_354 = tpu.vector_load %arg4[%get3A_352, %get3A_353] {strides = array<i32>} : memref<64x512xf32, #tpu.memory_space<vmem>>, vector<1x16xf32>,
        %get3A_355 = vector.shape_cast %get3A_354 : vector<1x16xf32> to vector<16xf32>
        %gt3A_356 = arith.constant -1.38629436 : f32
        %gt3A_357 = vector.broadcast %gt3A_356 : f32 to vector<16xf32>
        %gt3A_358 = arith.cmpf ogt, %get3A_355, %gt3A_357 : vector<16xf32>
        %select_n3A_359 = arith.select %gt3A_358, %add3A_312, %broadcast_in_dim3A_5 : vector<16xi1>, vector<16xf32>
        %add3A_360 = arith.addf %add3A_264, %select_n3A_359 : vector<16xf32>
        %get3A_361 = arith.index_cast %scan3A_115 : i32 to index
        %get3A_362 = arith.constant 320 : index
        %get3A_363 = tpu.vector_load %arg4[%get3A_361, %get3A_362] {strides = array<i32>} : memref<64x512xf32, #tpu.memory_space<vmem>>, vector<1x16xf32>,
        %get3A_364 = vector.shape_cast %get3A_363 : vector<1x16xf32> to vector<16xf32>
        %gt3A_365 = arith.constant -1.38629436 : f32
        %gt3A_366 = vector.broadcast %gt3A_365 : f32 to vector<16xf32>
        %gt3A_367 = arith.cmpf ogt, %get3A_364, %gt3A_366 : vector<16xf32>
        %select_n3A_368 = arith.select %gt3A_367, %add3A_315, %broadcast_in_dim3A_5 : vector<16xi1>, vector<16xf32>
        %add3A_369 = arith.addf %add3A_273, %select_n3A_368 : vector<16xf32>
        %get3A_370 = arith.index_cast %scan3A_115 : i32 to index
        %get3A_371 = arith.constant 336 : index
        %get3A_372 = tpu.vector_load %arg4[%get3A_370, %get3A_371] {strides = array<i32>} : memref<64x512xf32, #tpu.memory_space<vmem>>, vector<1x16xf32>,
        %get3A_373 = vector.shape_cast %get3A_372 : vector<1x16xf32> to vector<16xf32>
        %gt3A_374 = arith.constant -1.38629436 : f32
        %gt3A_375 = vector.broadcast %gt3A_374 : f32 to vector<16xf32>
        %gt3A_376 = arith.cmpf ogt, %get3A_373, %gt3A_375 : vector<16xf32>
        %select_n3A_377 = arith.select %gt3A_376, %add3A_318, %broadcast_in_dim3A_5 : vector<16xi1>, vector<16xf32>
        %add3A_378 = arith.addf %add3A_282, %select_n3A_377 : vector<16xf32>
        %get3A_379 = arith.index_cast %scan3A_115 : i32 to index
        %get3A_380 = arith.constant 352 : index
        %get3A_381 = tpu.vector_load %arg4[%get3A_379, %get3A_380] {strides = array<i32>} : memref<64x512xf32, #tpu.memory_space<vmem>>, vector<1x16xf32>,
        %get3A_382 = vector.shape_cast %get3A_381 : vector<1x16xf32> to vector<16xf32>
        %gt3A_383 = arith.constant -1.38629436 : f32
        %gt3A_384 = vector.broadcast %gt3A_383 : f32 to vector<16xf32>
        %gt3A_385 = arith.cmpf ogt, %get3A_382, %gt3A_384 : vector<16xf32>
        %select_n3A_386 = arith.select %gt3A_385, %add3A_321, %broadcast_in_dim3A_5 : vector<16xi1>, vector<16xf32>
        %add3A_387 = arith.addf %add3A_291, %select_n3A_386 : vector<16xf32>
        %get3A_388 = arith.index_cast %scan3A_115 : i32 to index
        %get3A_389 = arith.constant 368 : index
        %get3A_390 = tpu.vector_load %arg4[%get3A_388, %get3A_389] {strides = array<i32>} : memref<64x512xf32, #tpu.memory_space<vmem>>, vector<1x16xf32>,
        %get3A_391 = vector.shape_cast %get3A_390 : vector<1x16xf32> to vector<16xf32>
        %gt3A_392 = arith.constant -1.38629436 : f32
        %gt3A_393 = vector.broadcast %gt3A_392 : f32 to vector<16xf32>
        %gt3A_394 = arith.cmpf ogt, %get3A_391, %gt3A_393 : vector<16xf32>
        %select_n3A_395 = arith.select %gt3A_394, %add3A_324, %broadcast_in_dim3A_5 : vector<16xi1>, vector<16xf32>
        %add3A_396 = arith.addf %add3A_300, %select_n3A_395 : vector<16xf32>
        %add3A_397 = arith.constant 1.280000e+02 : f32
        %add3A_398 = vector.broadcast %add3A_397 : f32 to vector<16xf32>
        %add3A_399 = arith.addf %add3A_303, %add3A_398 : vector<16xf32>
        %add3A_400 = arith.constant 1.280000e+02 : f32
        %add3A_401 = vector.broadcast %add3A_400 : f32 to vector<16xf32>
        %add3A_402 = arith.addf %add3A_306, %add3A_401 : vector<16xf32>
        %add3A_403 = arith.constant 1.280000e+02 : f32
        %add3A_404 = vector.broadcast %add3A_403 : f32 to vector<16xf32>
        %add3A_405 = arith.addf %add3A_309, %add3A_404 : vector<16xf32>
        %add3A_406 = arith.constant 1.280000e+02 : f32
        %add3A_407 = vector.broadcast %add3A_406 : f32 to vector<16xf32>
        %add3A_408 = arith.addf %add3A_312, %add3A_407 : vector<16xf32>
        %add3A_409 = arith.constant 1.280000e+02 : f32
        %add3A_410 = vector.broadcast %add3A_409 : f32 to vector<16xf32>
        %add3A_411 = arith.addf %add3A_315, %add3A_410 : vector<16xf32>
        %add3A_412 = arith.constant 1.280000e+02 : f32
        %add3A_413 = vector.broadcast %add3A_412 : f32 to vector<16xf32>
        %add3A_414 = arith.addf %add3A_318, %add3A_413 : vector<16xf32>
        %add3A_415 = arith.constant 1.280000e+02 : f32
        %add3A_416 = vector.broadcast %add3A_415 : f32 to vector<16xf32>
        %add3A_417 = arith.addf %add3A_321, %add3A_416 : vector<16xf32>
        %add3A_418 = arith.constant 1.280000e+02 : f32
        %add3A_419 = vector.broadcast %add3A_418 : f32 to vector<16xf32>
        %add3A_420 = arith.addf %add3A_324, %add3A_419 : vector<16xf32>
        %get3A_421 = arith.index_cast %scan3A_115 : i32 to index
        %get3A_422 = arith.constant 384 : index
        %get3A_423 = tpu.vector_load %arg4[%get3A_421, %get3A_422] {strides = array<i32>} : memref<64x512xf32, #tpu.memory_space<vmem>>, vector<1x16xf32>,
        %get3A_424 = vector.shape_cast %get3A_423 : vector<1x16xf32> to vector<16xf32>
        %gt3A_425 = arith.constant -1.38629436 : f32
        %gt3A_426 = vector.broadcast %gt3A_425 : f32 to vector<16xf32>
        %gt3A_427 = arith.cmpf ogt, %get3A_424, %gt3A_426 : vector<16xf32>
        %select_n3A_428 = arith.select %gt3A_427, %add3A_399, %broadcast_in_dim3A_5 : vector<16xi1>, vector<16xf32>
        %add3A_429 = arith.addf %add3A_333, %select_n3A_428 : vector<16xf32>
        %get3A_430 = arith.index_cast %scan3A_115 : i32 to index
        %get3A_431 = arith.constant 400 : index
        %get3A_432 = tpu.vector_load %arg4[%get3A_430, %get3A_431] {strides = array<i32>} : memref<64x512xf32, #tpu.memory_space<vmem>>, vector<1x16xf32>,
        %get3A_433 = vector.shape_cast %get3A_432 : vector<1x16xf32> to vector<16xf32>
        %gt3A_434 = arith.constant -1.38629436 : f32
        %gt3A_435 = vector.broadcast %gt3A_434 : f32 to vector<16xf32>
        %gt3A_436 = arith.cmpf ogt, %get3A_433, %gt3A_435 : vector<16xf32>
        %select_n3A_437 = arith.select %gt3A_436, %add3A_402, %broadcast_in_dim3A_5 : vector<16xi1>, vector<16xf32>
        %add3A_438 = arith.addf %add3A_342, %select_n3A_437 : vector<16xf32>
        %get3A_439 = arith.index_cast %scan3A_115 : i32 to index
        %get3A_440 = arith.constant 416 : index
        %get3A_441 = tpu.vector_load %arg4[%get3A_439, %get3A_440] {strides = array<i32>} : memref<64x512xf32, #tpu.memory_space<vmem>>, vector<1x16xf32>,
        %get3A_442 = vector.shape_cast %get3A_441 : vector<1x16xf32> to vector<16xf32>
        %gt3A_443 = arith.constant -1.38629436 : f32
        %gt3A_444 = vector.broadcast %gt3A_443 : f32 to vector<16xf32>
        %gt3A_445 = arith.cmpf ogt, %get3A_442, %gt3A_444 : vector<16xf32>
        %select_n3A_446 = arith.select %gt3A_445, %add3A_405, %broadcast_in_dim3A_5 : vector<16xi1>, vector<16xf32>
        %add3A_447 = arith.addf %add3A_351, %select_n3A_446 : vector<16xf32>
        %get3A_448 = arith.index_cast %scan3A_115 : i32 to index
        %get3A_449 = arith.constant 432 : index
        %get3A_450 = tpu.vector_load %arg4[%get3A_448, %get3A_449] {strides = array<i32>} : memref<64x512xf32, #tpu.memory_space<vmem>>, vector<1x16xf32>,
        %get3A_451 = vector.shape_cast %get3A_450 : vector<1x16xf32> to vector<16xf32>
        %gt3A_452 = arith.constant -1.38629436 : f32
        %gt3A_453 = vector.broadcast %gt3A_452 : f32 to vector<16xf32>
        %gt3A_454 = arith.cmpf ogt, %get3A_451, %gt3A_453 : vector<16xf32>
        %select_n3A_455 = arith.select %gt3A_454, %add3A_408, %broadcast_in_dim3A_5 : vector<16xi1>, vector<16xf32>
        %add3A_456 = arith.addf %add3A_360, %select_n3A_455 : vector<16xf32>
        %get3A_457 = arith.index_cast %scan3A_115 : i32 to index
        %get3A_458 = arith.constant 448 : index
        %get3A_459 = tpu.vector_load %arg4[%get3A_457, %get3A_458] {strides = array<i32>} : memref<64x512xf32, #tpu.memory_space<vmem>>, vector<1x16xf32>,
        %get3A_460 = vector.shape_cast %get3A_459 : vector<1x16xf32> to vector<16xf32>
        %gt3A_461 = arith.constant -1.38629436 : f32
        %gt3A_462 = vector.broadcast %gt3A_461 : f32 to vector<16xf32>
        %gt3A_463 = arith.cmpf ogt, %get3A_460, %gt3A_462 : vector<16xf32>
        %select_n3A_464 = arith.select %gt3A_463, %add3A_411, %broadcast_in_dim3A_5 : vector<16xi1>, vector<16xf32>
        %add3A_465 = arith.addf %add3A_369, %select_n3A_464 : vector<16xf32>
        %get3A_466 = arith.index_cast %scan3A_115 : i32 to index
        %get3A_467 = arith.constant 464 : index
        %get3A_468 = tpu.vector_load %arg4[%get3A_466, %get3A_467] {strides = array<i32>} : memref<64x512xf32, #tpu.memory_space<vmem>>, vector<1x16xf32>,
        %get3A_469 = vector.shape_cast %get3A_468 : vector<1x16xf32> to vector<16xf32>
        %gt3A_470 = arith.constant -1.38629436 : f32
        %gt3A_471 = vector.broadcast %gt3A_470 : f32 to vector<16xf32>
        %gt3A_472 = arith.cmpf ogt, %get3A_469, %gt3A_471 : vector<16xf32>
        %select_n3A_473 = arith.select %gt3A_472, %add3A_414, %broadcast_in_dim3A_5 : vector<16xi1>, vector<16xf32>
        %add3A_474 = arith.addf %add3A_378, %select_n3A_473 : vector<16xf32>
        %get3A_475 = arith.index_cast %scan3A_115 : i32 to index
        %get3A_476 = arith.constant 480 : index
        %get3A_477 = tpu.vector_load %arg4[%get3A_475, %get3A_476] {strides = array<i32>} : memref<64x512xf32, #tpu.memory_space<vmem>>, vector<1x16xf32>,
        %get3A_478 = vector.shape_cast %get3A_477 : vector<1x16xf32> to vector<16xf32>
        %gt3A_479 = arith.constant -1.38629436 : f32
        %gt3A_480 = vector.broadcast %gt3A_479 : f32 to vector<16xf32>
        %gt3A_481 = arith.cmpf ogt, %get3A_478, %gt3A_480 : vector<16xf32>
        %select_n3A_482 = arith.select %gt3A_481, %add3A_417, %broadcast_in_dim3A_5 : vector<16xi1>, vector<16xf32>
        %add3A_483 = arith.addf %add3A_387, %select_n3A_482 : vector<16xf32>
        %get3A_484 = arith.index_cast %scan3A_115 : i32 to index
        %get3A_485 = arith.constant 496 : index
        %get3A_486 = tpu.vector_load %arg4[%get3A_484, %get3A_485] {strides = array<i32>} : memref<64x512xf32, #tpu.memory_space<vmem>>, vector<1x16xf32>,
        %get3A_487 = vector.shape_cast %get3A_486 : vector<1x16xf32> to vector<16xf32>
        %gt3A_488 = arith.constant -1.38629436 : f32
        %gt3A_489 = vector.broadcast %gt3A_488 : f32 to vector<16xf32>
        %gt3A_490 = arith.cmpf ogt, %get3A_487, %gt3A_489 : vector<16xf32>
        %select_n3A_491 = arith.select %gt3A_490, %add3A_420, %broadcast_in_dim3A_5 : vector<16xi1>, vector<16xf32>
        %add3A_492 = arith.addf %add3A_396, %select_n3A_491 : vector<16xf32>
        %add3A_493 = arith.addf %add3A_429, %add3A_438 : vector<16xf32>
        %add3A_494 = arith.addf %add3A_447, %add3A_456 : vector<16xf32>
        %add3A_495 = arith.addf %add3A_465, %add3A_474 : vector<16xf32>
        %add3A_496 = arith.addf %add3A_483, %add3A_492 : vector<16xf32>
        %add3A_497 = arith.addf %add3A_493, %add3A_494 : vector<16xf32>
        %add3A_498 = arith.addf %add3A_495, %add3A_496 : vector<16xf32>
        %add3A_499 = arith.addf %add3A_497, %add3A_498 : vector<16xf32>
        %mul3A_500 = arith.constant 3.81469727E-6 : f32
        %mul3A_501 = vector.broadcast %mul3A_500 : f32 to vector<16xf32>
        %mul3A_502 = arith.mulf %add3A_499, %mul3A_501 : vector<16xf32>
        %convert_element_type3A_503 = arith.fptosi %mul3A_502 : vector<16xf32> to vector<16xi32>
        %convert_element_type3A_504 = arith.sitofp %convert_element_type3A_503 : vector<16xi32> to vector<16xf32>
        %mul3A_505 = arith.constant 2.621440e+05 : f32
        %mul3A_506 = vector.broadcast %mul3A_505 : f32 to vector<16xf32>
        %mul3A_507 = arith.mulf %convert_element_type3A_504, %mul3A_506 : vector<16xf32>
        %sub3A = arith.subf %add3A_499, %mul3A_507 : vector<16xf32>
        %add3A_508 = arith.addi %add3A_53, %scan3A_115 : i32
        %convert_element_type3A_509 = arith.sitofp %add3A_508 : i32 to f32
        %add3A_510 = arith.addf %scan3A_116, %convert_element_type3A_504 : vector<16xf32>
        %add3A_511 = arith.addf %scan3A_117, %sub3A : vector<16xf32>
        %mul3A_512 = vector.broadcast %convert_element_type3A_509 : f32 to vector<16xf32>
        %mul3A_513 = arith.mulf %mul3A_512, %convert_element_type3A_504 : vector<16xf32>
        %add3A_514 = arith.addf %scan3A_118, %mul3A_513 : vector<16xf32>
        scf.yield %add3A_510, %add3A_511, %add3A_514 : vector<16xf32>, vector<16xf32>, vector<16xf32>
      }
      %scan3A_59 = arith.constant 64 : i32
      %dma_wait3A_60 = arith.constant 0 : i32
      %dma_wait3A_61 = arith.constant 0 : i32
      %dma_wait3A_62 = tpu.memref_slice %arg2[%dma_wait3A_60, %dma_wait3A_61] : memref<32768x512xf32, #tpu.memory_space<hbm>> -> memref<64x512xf32, #tpu.memory_space<hbm>>
      %dma_wait3A_63 = arith.constant 0 : i32
      %dma_wait3A_64 = arith.constant 0 : i32
      %dma_wait3A_65 = tpu.memref_slice %arg2[%dma_wait3A_63, %dma_wait3A_64] : memref<32768x512xf32, #tpu.memory_space<hbm>> -> memref<64x512xf32, #tpu.memory_space<hbm>>
      tpu.wait_dma2 semaphore(%arg8 : memref<!tpu.dma_semaphore, #tpu.memory_space<semaphore_mem>>) src(%dma_wait3A_65 : memref<64x512xf32, #tpu.memory_space<hbm>>) dst(%arg5 : memref<64x512xf32, #tpu.memory_space<vmem>>)
      %add3A_66 = arith.constant 1 : i32
      %add3A_67 = arith.addi %scan3A_24, %add3A_66 : i32
      %lt3A_68 = arith.constant 8 : i32
      %lt3A_69 = arith.cmpi slt, %add3A_67, %lt3A_68 : i32
      %convert_element_type3A_70 = arith.extui %lt3A_69 : i1 to i32
      %cond3A_71 = arith.constant 0 : i32
      %cond3A_72 = arith.cmpi ne, %convert_element_type3A_70, %cond3A_71 : i32
      scf.if %cond3A_72 {
        %mul3A_115 = arith.constant 2 : i32
        %mul3A_116 = arith.muli %mul3A_115, %scan3A_24 : i32
        %add3A_117 = arith.constant 2 : i32
        %add3A_118 = arith.addi %mul3A_116, %add3A_117 : i32
        %add3A_119 = arith.constant 1 : i32
        %add3A_120 = arith.addi %add3A_118, %add3A_119 : i32
        %mul3A_121 = arith.constant 64 : i32
        %mul3A_122 = arith.muli %add3A_120, %mul3A_121 : i32
        %add3A_123 = arith.addi %mul3A_4, %mul3A_122 : i32
        %dma_start3A_124 = arith.constant 0 : i32
        %dma_start3A_125 = tpu.memref_slice %arg2[%add3A_123, %dma_start3A_124] : memref<32768x512xf32, #tpu.memory_space<hbm>> -> memref<64x512xf32, #tpu.memory_space<hbm>>
        %dma_start3A_126 = arith.constant 0 : i32
        %dma_start3A_127 = tpu.memref_slice %arg2[%add3A_123, %dma_start3A_126] : memref<32768x512xf32, #tpu.memory_space<hbm>> -> memref<64x512xf32, #tpu.memory_space<hbm>>
        tpu.enqueue_dma source(%dma_start3A_127 : memref<64x512xf32, #tpu.memory_space<hbm>>) target(%arg5 : memref<64x512xf32, #tpu.memory_space<vmem>>) target_semaphore(%arg8 : memref<!tpu.dma_semaphore, #tpu.memory_space<semaphore_mem>>)
      } else {
      }
      %add3A_73 = arith.constant 64 : i32
      %add3A_74 = arith.addi %mul3A_40, %add3A_73 : i32
      %scan3A_75 = arith.constant 0 : i32
      %scan3A_76 = arith.constant 64 : i32
      %scan3A_77 = arith.addi %scan3A_75, %scan3A_76 : i32
      %scan3A_78 = arith.constant 1 : i32
      %scan3A_79:3 = scf.for %scan3A_115 = %scan3A_75 to %scan3A_77 step %scan3A_78 iter_args(%scan3A_116 = %scan3A_58#0, %scan3A_117 = %scan3A_58#1, %scan3A_118 = %scan3A_58#2) -> (vector<16xf32>, vector<16xf32>, vector<16xf32>)  : i32 {
        %add3A_119 = arith.constant 2.621440e+05 : f32
        %add3A_120 = vector.broadcast %add3A_119 : f32 to vector<16xf32>
        %add3A_121 = arith.addf %convert_element_type3A, %add3A_120 : vector<16xf32>
        %add3A_122 = arith.constant 2.621600e+05 : f32
        %add3A_123 = vector.broadcast %add3A_122 : f32 to vector<16xf32>
        %add3A_124 = arith.addf %convert_element_type3A, %add3A_123 : vector<16xf32>
        %add3A_125 = arith.constant 2.621760e+05 : f32
        %add3A_126 = vector.broadcast %add3A_125 : f32 to vector<16xf32>
        %add3A_127 = arith.addf %convert_element_type3A, %add3A_126 : vector<16xf32>
        %add3A_128 = arith.constant 2.621920e+05 : f32
        %add3A_129 = vector.broadcast %add3A_128 : f32 to vector<16xf32>
        %add3A_130 = arith.addf %convert_element_type3A, %add3A_129 : vector<16xf32>
        %add3A_131 = arith.constant 2.622080e+05 : f32
        %add3A_132 = vector.broadcast %add3A_131 : f32 to vector<16xf32>
        %add3A_133 = arith.addf %convert_element_type3A, %add3A_132 : vector<16xf32>
        %add3A_134 = arith.constant 2.622240e+05 : f32
        %add3A_135 = vector.broadcast %add3A_134 : f32 to vector<16xf32>
        %add3A_136 = arith.addf %convert_element_type3A, %add3A_135 : vector<16xf32>
        %add3A_137 = arith.constant 2.622400e+05 : f32
        %add3A_138 = vector.broadcast %add3A_137 : f32 to vector<16xf32>
        %add3A_139 = arith.addf %convert_element_type3A, %add3A_138 : vector<16xf32>
        %add3A_140 = arith.constant 2.622560e+05 : f32
        %add3A_141 = vector.broadcast %add3A_140 : f32 to vector<16xf32>
        %add3A_142 = arith.addf %convert_element_type3A, %add3A_141 : vector<16xf32>
        %get3A = arith.index_cast %scan3A_115 : i32 to index
        %get3A_143 = arith.constant 0 : index
        %get3A_144 = tpu.vector_load %arg5[%get3A, %get3A_143] {strides = array<i32>} : memref<64x512xf32, #tpu.memory_space<vmem>>, vector<1x16xf32>,
        %get3A_145 = vector.shape_cast %get3A_144 : vector<1x16xf32> to vector<16xf32>
        %gt3A = arith.constant -1.38629436 : f32
        %gt3A_146 = vector.broadcast %gt3A : f32 to vector<16xf32>
        %gt3A_147 = arith.cmpf ogt, %get3A_145, %gt3A_146 : vector<16xf32>
        %select_n3A_148 = arith.select %gt3A_147, %add3A_121, %broadcast_in_dim3A_5 : vector<16xi1>, vector<16xf32>
        %get3A_149 = arith.index_cast %scan3A_115 : i32 to index
        %get3A_150 = arith.constant 16 : index
        %get3A_151 = tpu.vector_load %arg5[%get3A_149, %get3A_150] {strides = array<i32>} : memref<64x512xf32, #tpu.memory_space<vmem>>, vector<1x16xf32>,
        %get3A_152 = vector.shape_cast %get3A_151 : vector<1x16xf32> to vector<16xf32>
        %gt3A_153 = arith.constant -1.38629436 : f32
        %gt3A_154 = vector.broadcast %gt3A_153 : f32 to vector<16xf32>
        %gt3A_155 = arith.cmpf ogt, %get3A_152, %gt3A_154 : vector<16xf32>
        %select_n3A_156 = arith.select %gt3A_155, %add3A_124, %broadcast_in_dim3A_5 : vector<16xi1>, vector<16xf32>
        %get3A_157 = arith.index_cast %scan3A_115 : i32 to index
        %get3A_158 = arith.constant 32 : index
        %get3A_159 = tpu.vector_load %arg5[%get3A_157, %get3A_158] {strides = array<i32>} : memref<64x512xf32, #tpu.memory_space<vmem>>, vector<1x16xf32>,
        %get3A_160 = vector.shape_cast %get3A_159 : vector<1x16xf32> to vector<16xf32>
        %gt3A_161 = arith.constant -1.38629436 : f32
        %gt3A_162 = vector.broadcast %gt3A_161 : f32 to vector<16xf32>
        %gt3A_163 = arith.cmpf ogt, %get3A_160, %gt3A_162 : vector<16xf32>
        %select_n3A_164 = arith.select %gt3A_163, %add3A_127, %broadcast_in_dim3A_5 : vector<16xi1>, vector<16xf32>
        %get3A_165 = arith.index_cast %scan3A_115 : i32 to index
        %get3A_166 = arith.constant 48 : index
        %get3A_167 = tpu.vector_load %arg5[%get3A_165, %get3A_166] {strides = array<i32>} : memref<64x512xf32, #tpu.memory_space<vmem>>, vector<1x16xf32>,
        %get3A_168 = vector.shape_cast %get3A_167 : vector<1x16xf32> to vector<16xf32>
        %gt3A_169 = arith.constant -1.38629436 : f32
        %gt3A_170 = vector.broadcast %gt3A_169 : f32 to vector<16xf32>
        %gt3A_171 = arith.cmpf ogt, %get3A_168, %gt3A_170 : vector<16xf32>
        %select_n3A_172 = arith.select %gt3A_171, %add3A_130, %broadcast_in_dim3A_5 : vector<16xi1>, vector<16xf32>
        %get3A_173 = arith.index_cast %scan3A_115 : i32 to index
        %get3A_174 = arith.constant 64 : index
        %get3A_175 = tpu.vector_load %arg5[%get3A_173, %get3A_174] {strides = array<i32>} : memref<64x512xf32, #tpu.memory_space<vmem>>, vector<1x16xf32>,
        %get3A_176 = vector.shape_cast %get3A_175 : vector<1x16xf32> to vector<16xf32>
        %gt3A_177 = arith.constant -1.38629436 : f32
        %gt3A_178 = vector.broadcast %gt3A_177 : f32 to vector<16xf32>
        %gt3A_179 = arith.cmpf ogt, %get3A_176, %gt3A_178 : vector<16xf32>
        %select_n3A_180 = arith.select %gt3A_179, %add3A_133, %broadcast_in_dim3A_5 : vector<16xi1>, vector<16xf32>
        %get3A_181 = arith.index_cast %scan3A_115 : i32 to index
        %get3A_182 = arith.constant 80 : index
        %get3A_183 = tpu.vector_load %arg5[%get3A_181, %get3A_182] {strides = array<i32>} : memref<64x512xf32, #tpu.memory_space<vmem>>, vector<1x16xf32>,
        %get3A_184 = vector.shape_cast %get3A_183 : vector<1x16xf32> to vector<16xf32>
        %gt3A_185 = arith.constant -1.38629436 : f32
        %gt3A_186 = vector.broadcast %gt3A_185 : f32 to vector<16xf32>
        %gt3A_187 = arith.cmpf ogt, %get3A_184, %gt3A_186 : vector<16xf32>
        %select_n3A_188 = arith.select %gt3A_187, %add3A_136, %broadcast_in_dim3A_5 : vector<16xi1>, vector<16xf32>
        %get3A_189 = arith.index_cast %scan3A_115 : i32 to index
        %get3A_190 = arith.constant 96 : index
        %get3A_191 = tpu.vector_load %arg5[%get3A_189, %get3A_190] {strides = array<i32>} : memref<64x512xf32, #tpu.memory_space<vmem>>, vector<1x16xf32>,
        %get3A_192 = vector.shape_cast %get3A_191 : vector<1x16xf32> to vector<16xf32>
        %gt3A_193 = arith.constant -1.38629436 : f32
        %gt3A_194 = vector.broadcast %gt3A_193 : f32 to vector<16xf32>
        %gt3A_195 = arith.cmpf ogt, %get3A_192, %gt3A_194 : vector<16xf32>
        %select_n3A_196 = arith.select %gt3A_195, %add3A_139, %broadcast_in_dim3A_5 : vector<16xi1>, vector<16xf32>
        %get3A_197 = arith.index_cast %scan3A_115 : i32 to index
        %get3A_198 = arith.constant 112 : index
        %get3A_199 = tpu.vector_load %arg5[%get3A_197, %get3A_198] {strides = array<i32>} : memref<64x512xf32, #tpu.memory_space<vmem>>, vector<1x16xf32>,
        %get3A_200 = vector.shape_cast %get3A_199 : vector<1x16xf32> to vector<16xf32>
        %gt3A_201 = arith.constant -1.38629436 : f32
        %gt3A_202 = vector.broadcast %gt3A_201 : f32 to vector<16xf32>
        %gt3A_203 = arith.cmpf ogt, %get3A_200, %gt3A_202 : vector<16xf32>
        %select_n3A_204 = arith.select %gt3A_203, %add3A_142, %broadcast_in_dim3A_5 : vector<16xi1>, vector<16xf32>
        %add3A_205 = arith.constant 1.280000e+02 : f32
        %add3A_206 = vector.broadcast %add3A_205 : f32 to vector<16xf32>
        %add3A_207 = arith.addf %add3A_121, %add3A_206 : vector<16xf32>
        %add3A_208 = arith.constant 1.280000e+02 : f32
        %add3A_209 = vector.broadcast %add3A_208 : f32 to vector<16xf32>
        %add3A_210 = arith.addf %add3A_124, %add3A_209 : vector<16xf32>
        %add3A_211 = arith.constant 1.280000e+02 : f32
        %add3A_212 = vector.broadcast %add3A_211 : f32 to vector<16xf32>
        %add3A_213 = arith.addf %add3A_127, %add3A_212 : vector<16xf32>
        %add3A_214 = arith.constant 1.280000e+02 : f32
        %add3A_215 = vector.broadcast %add3A_214 : f32 to vector<16xf32>
        %add3A_216 = arith.addf %add3A_130, %add3A_215 : vector<16xf32>
        %add3A_217 = arith.constant 1.280000e+02 : f32
        %add3A_218 = vector.broadcast %add3A_217 : f32 to vector<16xf32>
        %add3A_219 = arith.addf %add3A_133, %add3A_218 : vector<16xf32>
        %add3A_220 = arith.constant 1.280000e+02 : f32
        %add3A_221 = vector.broadcast %add3A_220 : f32 to vector<16xf32>
        %add3A_222 = arith.addf %add3A_136, %add3A_221 : vector<16xf32>
        %add3A_223 = arith.constant 1.280000e+02 : f32
        %add3A_224 = vector.broadcast %add3A_223 : f32 to vector<16xf32>
        %add3A_225 = arith.addf %add3A_139, %add3A_224 : vector<16xf32>
        %add3A_226 = arith.constant 1.280000e+02 : f32
        %add3A_227 = vector.broadcast %add3A_226 : f32 to vector<16xf32>
        %add3A_228 = arith.addf %add3A_142, %add3A_227 : vector<16xf32>
        %get3A_229 = arith.index_cast %scan3A_115 : i32 to index
        %get3A_230 = arith.constant 128 : index
        %get3A_231 = tpu.vector_load %arg5[%get3A_229, %get3A_230] {strides = array<i32>} : memref<64x512xf32, #tpu.memory_space<vmem>>, vector<1x16xf32>,
        %get3A_232 = vector.shape_cast %get3A_231 : vector<1x16xf32> to vector<16xf32>
        %gt3A_233 = arith.constant -1.38629436 : f32
        %gt3A_234 = vector.broadcast %gt3A_233 : f32 to vector<16xf32>
        %gt3A_235 = arith.cmpf ogt, %get3A_232, %gt3A_234 : vector<16xf32>
        %select_n3A_236 = arith.select %gt3A_235, %add3A_207, %broadcast_in_dim3A_5 : vector<16xi1>, vector<16xf32>
        %add3A_237 = arith.addf %select_n3A_148, %select_n3A_236 : vector<16xf32>
        %get3A_238 = arith.index_cast %scan3A_115 : i32 to index
        %get3A_239 = arith.constant 144 : index
        %get3A_240 = tpu.vector_load %arg5[%get3A_238, %get3A_239] {strides = array<i32>} : memref<64x512xf32, #tpu.memory_space<vmem>>, vector<1x16xf32>,
        %get3A_241 = vector.shape_cast %get3A_240 : vector<1x16xf32> to vector<16xf32>
        %gt3A_242 = arith.constant -1.38629436 : f32
        %gt3A_243 = vector.broadcast %gt3A_242 : f32 to vector<16xf32>
        %gt3A_244 = arith.cmpf ogt, %get3A_241, %gt3A_243 : vector<16xf32>
        %select_n3A_245 = arith.select %gt3A_244, %add3A_210, %broadcast_in_dim3A_5 : vector<16xi1>, vector<16xf32>
        %add3A_246 = arith.addf %select_n3A_156, %select_n3A_245 : vector<16xf32>
        %get3A_247 = arith.index_cast %scan3A_115 : i32 to index
        %get3A_248 = arith.constant 160 : index
        %get3A_249 = tpu.vector_load %arg5[%get3A_247, %get3A_248] {strides = array<i32>} : memref<64x512xf32, #tpu.memory_space<vmem>>, vector<1x16xf32>,
        %get3A_250 = vector.shape_cast %get3A_249 : vector<1x16xf32> to vector<16xf32>
        %gt3A_251 = arith.constant -1.38629436 : f32
        %gt3A_252 = vector.broadcast %gt3A_251 : f32 to vector<16xf32>
        %gt3A_253 = arith.cmpf ogt, %get3A_250, %gt3A_252 : vector<16xf32>
        %select_n3A_254 = arith.select %gt3A_253, %add3A_213, %broadcast_in_dim3A_5 : vector<16xi1>, vector<16xf32>
        %add3A_255 = arith.addf %select_n3A_164, %select_n3A_254 : vector<16xf32>
        %get3A_256 = arith.index_cast %scan3A_115 : i32 to index
        %get3A_257 = arith.constant 176 : index
        %get3A_258 = tpu.vector_load %arg5[%get3A_256, %get3A_257] {strides = array<i32>} : memref<64x512xf32, #tpu.memory_space<vmem>>, vector<1x16xf32>,
        %get3A_259 = vector.shape_cast %get3A_258 : vector<1x16xf32> to vector<16xf32>
        %gt3A_260 = arith.constant -1.38629436 : f32
        %gt3A_261 = vector.broadcast %gt3A_260 : f32 to vector<16xf32>
        %gt3A_262 = arith.cmpf ogt, %get3A_259, %gt3A_261 : vector<16xf32>
        %select_n3A_263 = arith.select %gt3A_262, %add3A_216, %broadcast_in_dim3A_5 : vector<16xi1>, vector<16xf32>
        %add3A_264 = arith.addf %select_n3A_172, %select_n3A_263 : vector<16xf32>
        %get3A_265 = arith.index_cast %scan3A_115 : i32 to index
        %get3A_266 = arith.constant 192 : index
        %get3A_267 = tpu.vector_load %arg5[%get3A_265, %get3A_266] {strides = array<i32>} : memref<64x512xf32, #tpu.memory_space<vmem>>, vector<1x16xf32>,
        %get3A_268 = vector.shape_cast %get3A_267 : vector<1x16xf32> to vector<16xf32>
        %gt3A_269 = arith.constant -1.38629436 : f32
        %gt3A_270 = vector.broadcast %gt3A_269 : f32 to vector<16xf32>
        %gt3A_271 = arith.cmpf ogt, %get3A_268, %gt3A_270 : vector<16xf32>
        %select_n3A_272 = arith.select %gt3A_271, %add3A_219, %broadcast_in_dim3A_5 : vector<16xi1>, vector<16xf32>
        %add3A_273 = arith.addf %select_n3A_180, %select_n3A_272 : vector<16xf32>
        %get3A_274 = arith.index_cast %scan3A_115 : i32 to index
        %get3A_275 = arith.constant 208 : index
        %get3A_276 = tpu.vector_load %arg5[%get3A_274, %get3A_275] {strides = array<i32>} : memref<64x512xf32, #tpu.memory_space<vmem>>, vector<1x16xf32>,
        %get3A_277 = vector.shape_cast %get3A_276 : vector<1x16xf32> to vector<16xf32>
        %gt3A_278 = arith.constant -1.38629436 : f32
        %gt3A_279 = vector.broadcast %gt3A_278 : f32 to vector<16xf32>
        %gt3A_280 = arith.cmpf ogt, %get3A_277, %gt3A_279 : vector<16xf32>
        %select_n3A_281 = arith.select %gt3A_280, %add3A_222, %broadcast_in_dim3A_5 : vector<16xi1>, vector<16xf32>
        %add3A_282 = arith.addf %select_n3A_188, %select_n3A_281 : vector<16xf32>
        %get3A_283 = arith.index_cast %scan3A_115 : i32 to index
        %get3A_284 = arith.constant 224 : index
        %get3A_285 = tpu.vector_load %arg5[%get3A_283, %get3A_284] {strides = array<i32>} : memref<64x512xf32, #tpu.memory_space<vmem>>, vector<1x16xf32>,
        %get3A_286 = vector.shape_cast %get3A_285 : vector<1x16xf32> to vector<16xf32>
        %gt3A_287 = arith.constant -1.38629436 : f32
        %gt3A_288 = vector.broadcast %gt3A_287 : f32 to vector<16xf32>
        %gt3A_289 = arith.cmpf ogt, %get3A_286, %gt3A_288 : vector<16xf32>
        %select_n3A_290 = arith.select %gt3A_289, %add3A_225, %broadcast_in_dim3A_5 : vector<16xi1>, vector<16xf32>
        %add3A_291 = arith.addf %select_n3A_196, %select_n3A_290 : vector<16xf32>
        %get3A_292 = arith.index_cast %scan3A_115 : i32 to index
        %get3A_293 = arith.constant 240 : index
        %get3A_294 = tpu.vector_load %arg5[%get3A_292, %get3A_293] {strides = array<i32>} : memref<64x512xf32, #tpu.memory_space<vmem>>, vector<1x16xf32>,
        %get3A_295 = vector.shape_cast %get3A_294 : vector<1x16xf32> to vector<16xf32>
        %gt3A_296 = arith.constant -1.38629436 : f32
        %gt3A_297 = vector.broadcast %gt3A_296 : f32 to vector<16xf32>
        %gt3A_298 = arith.cmpf ogt, %get3A_295, %gt3A_297 : vector<16xf32>
        %select_n3A_299 = arith.select %gt3A_298, %add3A_228, %broadcast_in_dim3A_5 : vector<16xi1>, vector<16xf32>
        %add3A_300 = arith.addf %select_n3A_204, %select_n3A_299 : vector<16xf32>
        %add3A_301 = arith.constant 1.280000e+02 : f32
        %add3A_302 = vector.broadcast %add3A_301 : f32 to vector<16xf32>
        %add3A_303 = arith.addf %add3A_207, %add3A_302 : vector<16xf32>
        %add3A_304 = arith.constant 1.280000e+02 : f32
        %add3A_305 = vector.broadcast %add3A_304 : f32 to vector<16xf32>
        %add3A_306 = arith.addf %add3A_210, %add3A_305 : vector<16xf32>
        %add3A_307 = arith.constant 1.280000e+02 : f32
        %add3A_308 = vector.broadcast %add3A_307 : f32 to vector<16xf32>
        %add3A_309 = arith.addf %add3A_213, %add3A_308 : vector<16xf32>
        %add3A_310 = arith.constant 1.280000e+02 : f32
        %add3A_311 = vector.broadcast %add3A_310 : f32 to vector<16xf32>
        %add3A_312 = arith.addf %add3A_216, %add3A_311 : vector<16xf32>
        %add3A_313 = arith.constant 1.280000e+02 : f32
        %add3A_314 = vector.broadcast %add3A_313 : f32 to vector<16xf32>
        %add3A_315 = arith.addf %add3A_219, %add3A_314 : vector<16xf32>
        %add3A_316 = arith.constant 1.280000e+02 : f32
        %add3A_317 = vector.broadcast %add3A_316 : f32 to vector<16xf32>
        %add3A_318 = arith.addf %add3A_222, %add3A_317 : vector<16xf32>
        %add3A_319 = arith.constant 1.280000e+02 : f32
        %add3A_320 = vector.broadcast %add3A_319 : f32 to vector<16xf32>
        %add3A_321 = arith.addf %add3A_225, %add3A_320 : vector<16xf32>
        %add3A_322 = arith.constant 1.280000e+02 : f32
        %add3A_323 = vector.broadcast %add3A_322 : f32 to vector<16xf32>
        %add3A_324 = arith.addf %add3A_228, %add3A_323 : vector<16xf32>
        %get3A_325 = arith.index_cast %scan3A_115 : i32 to index
        %get3A_326 = arith.constant 256 : index
        %get3A_327 = tpu.vector_load %arg5[%get3A_325, %get3A_326] {strides = array<i32>} : memref<64x512xf32, #tpu.memory_space<vmem>>, vector<1x16xf32>,
        %get3A_328 = vector.shape_cast %get3A_327 : vector<1x16xf32> to vector<16xf32>
        %gt3A_329 = arith.constant -1.38629436 : f32
        %gt3A_330 = vector.broadcast %gt3A_329 : f32 to vector<16xf32>
        %gt3A_331 = arith.cmpf ogt, %get3A_328, %gt3A_330 : vector<16xf32>
        %select_n3A_332 = arith.select %gt3A_331, %add3A_303, %broadcast_in_dim3A_5 : vector<16xi1>, vector<16xf32>
        %add3A_333 = arith.addf %add3A_237, %select_n3A_332 : vector<16xf32>
        %get3A_334 = arith.index_cast %scan3A_115 : i32 to index
        %get3A_335 = arith.constant 272 : index
        %get3A_336 = tpu.vector_load %arg5[%get3A_334, %get3A_335] {strides = array<i32>} : memref<64x512xf32, #tpu.memory_space<vmem>>, vector<1x16xf32>,
        %get3A_337 = vector.shape_cast %get3A_336 : vector<1x16xf32> to vector<16xf32>
        %gt3A_338 = arith.constant -1.38629436 : f32
        %gt3A_339 = vector.broadcast %gt3A_338 : f32 to vector<16xf32>
        %gt3A_340 = arith.cmpf ogt, %get3A_337, %gt3A_339 : vector<16xf32>
        %select_n3A_341 = arith.select %gt3A_340, %add3A_306, %broadcast_in_dim3A_5 : vector<16xi1>, vector<16xf32>
        %add3A_342 = arith.addf %add3A_246, %select_n3A_341 : vector<16xf32>
        %get3A_343 = arith.index_cast %scan3A_115 : i32 to index
        %get3A_344 = arith.constant 288 : index
        %get3A_345 = tpu.vector_load %arg5[%get3A_343, %get3A_344] {strides = array<i32>} : memref<64x512xf32, #tpu.memory_space<vmem>>, vector<1x16xf32>,
        %get3A_346 = vector.shape_cast %get3A_345 : vector<1x16xf32> to vector<16xf32>
        %gt3A_347 = arith.constant -1.38629436 : f32
        %gt3A_348 = vector.broadcast %gt3A_347 : f32 to vector<16xf32>
        %gt3A_349 = arith.cmpf ogt, %get3A_346, %gt3A_348 : vector<16xf32>
        %select_n3A_350 = arith.select %gt3A_349, %add3A_309, %broadcast_in_dim3A_5 : vector<16xi1>, vector<16xf32>
        %add3A_351 = arith.addf %add3A_255, %select_n3A_350 : vector<16xf32>
        %get3A_352 = arith.index_cast %scan3A_115 : i32 to index
        %get3A_353 = arith.constant 304 : index
        %get3A_354 = tpu.vector_load %arg5[%get3A_352, %get3A_353] {strides = array<i32>} : memref<64x512xf32, #tpu.memory_space<vmem>>, vector<1x16xf32>,
        %get3A_355 = vector.shape_cast %get3A_354 : vector<1x16xf32> to vector<16xf32>
        %gt3A_356 = arith.constant -1.38629436 : f32
        %gt3A_357 = vector.broadcast %gt3A_356 : f32 to vector<16xf32>
        %gt3A_358 = arith.cmpf ogt, %get3A_355, %gt3A_357 : vector<16xf32>
        %select_n3A_359 = arith.select %gt3A_358, %add3A_312, %broadcast_in_dim3A_5 : vector<16xi1>, vector<16xf32>
        %add3A_360 = arith.addf %add3A_264, %select_n3A_359 : vector<16xf32>
        %get3A_361 = arith.index_cast %scan3A_115 : i32 to index
        %get3A_362 = arith.constant 320 : index
        %get3A_363 = tpu.vector_load %arg5[%get3A_361, %get3A_362] {strides = array<i32>} : memref<64x512xf32, #tpu.memory_space<vmem>>, vector<1x16xf32>,
        %get3A_364 = vector.shape_cast %get3A_363 : vector<1x16xf32> to vector<16xf32>
        %gt3A_365 = arith.constant -1.38629436 : f32
        %gt3A_366 = vector.broadcast %gt3A_365 : f32 to vector<16xf32>
        %gt3A_367 = arith.cmpf ogt, %get3A_364, %gt3A_366 : vector<16xf32>
        %select_n3A_368 = arith.select %gt3A_367, %add3A_315, %broadcast_in_dim3A_5 : vector<16xi1>, vector<16xf32>
        %add3A_369 = arith.addf %add3A_273, %select_n3A_368 : vector<16xf32>
        %get3A_370 = arith.index_cast %scan3A_115 : i32 to index
        %get3A_371 = arith.constant 336 : index
        %get3A_372 = tpu.vector_load %arg5[%get3A_370, %get3A_371] {strides = array<i32>} : memref<64x512xf32, #tpu.memory_space<vmem>>, vector<1x16xf32>,
        %get3A_373 = vector.shape_cast %get3A_372 : vector<1x16xf32> to vector<16xf32>
        %gt3A_374 = arith.constant -1.38629436 : f32
        %gt3A_375 = vector.broadcast %gt3A_374 : f32 to vector<16xf32>
        %gt3A_376 = arith.cmpf ogt, %get3A_373, %gt3A_375 : vector<16xf32>
        %select_n3A_377 = arith.select %gt3A_376, %add3A_318, %broadcast_in_dim3A_5 : vector<16xi1>, vector<16xf32>
        %add3A_378 = arith.addf %add3A_282, %select_n3A_377 : vector<16xf32>
        %get3A_379 = arith.index_cast %scan3A_115 : i32 to index
        %get3A_380 = arith.constant 352 : index
        %get3A_381 = tpu.vector_load %arg5[%get3A_379, %get3A_380] {strides = array<i32>} : memref<64x512xf32, #tpu.memory_space<vmem>>, vector<1x16xf32>,
        %get3A_382 = vector.shape_cast %get3A_381 : vector<1x16xf32> to vector<16xf32>
        %gt3A_383 = arith.constant -1.38629436 : f32
        %gt3A_384 = vector.broadcast %gt3A_383 : f32 to vector<16xf32>
        %gt3A_385 = arith.cmpf ogt, %get3A_382, %gt3A_384 : vector<16xf32>
        %select_n3A_386 = arith.select %gt3A_385, %add3A_321, %broadcast_in_dim3A_5 : vector<16xi1>, vector<16xf32>
        %add3A_387 = arith.addf %add3A_291, %select_n3A_386 : vector<16xf32>
        %get3A_388 = arith.index_cast %scan3A_115 : i32 to index
        %get3A_389 = arith.constant 368 : index
        %get3A_390 = tpu.vector_load %arg5[%get3A_388, %get3A_389] {strides = array<i32>} : memref<64x512xf32, #tpu.memory_space<vmem>>, vector<1x16xf32>,
        %get3A_391 = vector.shape_cast %get3A_390 : vector<1x16xf32> to vector<16xf32>
        %gt3A_392 = arith.constant -1.38629436 : f32
        %gt3A_393 = vector.broadcast %gt3A_392 : f32 to vector<16xf32>
        %gt3A_394 = arith.cmpf ogt, %get3A_391, %gt3A_393 : vector<16xf32>
        %select_n3A_395 = arith.select %gt3A_394, %add3A_324, %broadcast_in_dim3A_5 : vector<16xi1>, vector<16xf32>
        %add3A_396 = arith.addf %add3A_300, %select_n3A_395 : vector<16xf32>
        %add3A_397 = arith.constant 1.280000e+02 : f32
        %add3A_398 = vector.broadcast %add3A_397 : f32 to vector<16xf32>
        %add3A_399 = arith.addf %add3A_303, %add3A_398 : vector<16xf32>
        %add3A_400 = arith.constant 1.280000e+02 : f32
        %add3A_401 = vector.broadcast %add3A_400 : f32 to vector<16xf32>
        %add3A_402 = arith.addf %add3A_306, %add3A_401 : vector<16xf32>
        %add3A_403 = arith.constant 1.280000e+02 : f32
        %add3A_404 = vector.broadcast %add3A_403 : f32 to vector<16xf32>
        %add3A_405 = arith.addf %add3A_309, %add3A_404 : vector<16xf32>
        %add3A_406 = arith.constant 1.280000e+02 : f32
        %add3A_407 = vector.broadcast %add3A_406 : f32 to vector<16xf32>
        %add3A_408 = arith.addf %add3A_312, %add3A_407 : vector<16xf32>
        %add3A_409 = arith.constant 1.280000e+02 : f32
        %add3A_410 = vector.broadcast %add3A_409 : f32 to vector<16xf32>
        %add3A_411 = arith.addf %add3A_315, %add3A_410 : vector<16xf32>
        %add3A_412 = arith.constant 1.280000e+02 : f32
        %add3A_413 = vector.broadcast %add3A_412 : f32 to vector<16xf32>
        %add3A_414 = arith.addf %add3A_318, %add3A_413 : vector<16xf32>
        %add3A_415 = arith.constant 1.280000e+02 : f32
        %add3A_416 = vector.broadcast %add3A_415 : f32 to vector<16xf32>
        %add3A_417 = arith.addf %add3A_321, %add3A_416 : vector<16xf32>
        %add3A_418 = arith.constant 1.280000e+02 : f32
        %add3A_419 = vector.broadcast %add3A_418 : f32 to vector<16xf32>
        %add3A_420 = arith.addf %add3A_324, %add3A_419 : vector<16xf32>
        %get3A_421 = arith.index_cast %scan3A_115 : i32 to index
        %get3A_422 = arith.constant 384 : index
        %get3A_423 = tpu.vector_load %arg5[%get3A_421, %get3A_422] {strides = array<i32>} : memref<64x512xf32, #tpu.memory_space<vmem>>, vector<1x16xf32>,
        %get3A_424 = vector.shape_cast %get3A_423 : vector<1x16xf32> to vector<16xf32>
        %gt3A_425 = arith.constant -1.38629436 : f32
        %gt3A_426 = vector.broadcast %gt3A_425 : f32 to vector<16xf32>
        %gt3A_427 = arith.cmpf ogt, %get3A_424, %gt3A_426 : vector<16xf32>
        %select_n3A_428 = arith.select %gt3A_427, %add3A_399, %broadcast_in_dim3A_5 : vector<16xi1>, vector<16xf32>
        %add3A_429 = arith.addf %add3A_333, %select_n3A_428 : vector<16xf32>
        %get3A_430 = arith.index_cast %scan3A_115 : i32 to index
        %get3A_431 = arith.constant 400 : index
        %get3A_432 = tpu.vector_load %arg5[%get3A_430, %get3A_431] {strides = array<i32>} : memref<64x512xf32, #tpu.memory_space<vmem>>, vector<1x16xf32>,
        %get3A_433 = vector.shape_cast %get3A_432 : vector<1x16xf32> to vector<16xf32>
        %gt3A_434 = arith.constant -1.38629436 : f32
        %gt3A_435 = vector.broadcast %gt3A_434 : f32 to vector<16xf32>
        %gt3A_436 = arith.cmpf ogt, %get3A_433, %gt3A_435 : vector<16xf32>
        %select_n3A_437 = arith.select %gt3A_436, %add3A_402, %broadcast_in_dim3A_5 : vector<16xi1>, vector<16xf32>
        %add3A_438 = arith.addf %add3A_342, %select_n3A_437 : vector<16xf32>
        %get3A_439 = arith.index_cast %scan3A_115 : i32 to index
        %get3A_440 = arith.constant 416 : index
        %get3A_441 = tpu.vector_load %arg5[%get3A_439, %get3A_440] {strides = array<i32>} : memref<64x512xf32, #tpu.memory_space<vmem>>, vector<1x16xf32>,
        %get3A_442 = vector.shape_cast %get3A_441 : vector<1x16xf32> to vector<16xf32>
        %gt3A_443 = arith.constant -1.38629436 : f32
        %gt3A_444 = vector.broadcast %gt3A_443 : f32 to vector<16xf32>
        %gt3A_445 = arith.cmpf ogt, %get3A_442, %gt3A_444 : vector<16xf32>
        %select_n3A_446 = arith.select %gt3A_445, %add3A_405, %broadcast_in_dim3A_5 : vector<16xi1>, vector<16xf32>
        %add3A_447 = arith.addf %add3A_351, %select_n3A_446 : vector<16xf32>
        %get3A_448 = arith.index_cast %scan3A_115 : i32 to index
        %get3A_449 = arith.constant 432 : index
        %get3A_450 = tpu.vector_load %arg5[%get3A_448, %get3A_449] {strides = array<i32>} : memref<64x512xf32, #tpu.memory_space<vmem>>, vector<1x16xf32>,
        %get3A_451 = vector.shape_cast %get3A_450 : vector<1x16xf32> to vector<16xf32>
        %gt3A_452 = arith.constant -1.38629436 : f32
        %gt3A_453 = vector.broadcast %gt3A_452 : f32 to vector<16xf32>
        %gt3A_454 = arith.cmpf ogt, %get3A_451, %gt3A_453 : vector<16xf32>
        %select_n3A_455 = arith.select %gt3A_454, %add3A_408, %broadcast_in_dim3A_5 : vector<16xi1>, vector<16xf32>
        %add3A_456 = arith.addf %add3A_360, %select_n3A_455 : vector<16xf32>
        %get3A_457 = arith.index_cast %scan3A_115 : i32 to index
        %get3A_458 = arith.constant 448 : index
        %get3A_459 = tpu.vector_load %arg5[%get3A_457, %get3A_458] {strides = array<i32>} : memref<64x512xf32, #tpu.memory_space<vmem>>, vector<1x16xf32>,
        %get3A_460 = vector.shape_cast %get3A_459 : vector<1x16xf32> to vector<16xf32>
        %gt3A_461 = arith.constant -1.38629436 : f32
        %gt3A_462 = vector.broadcast %gt3A_461 : f32 to vector<16xf32>
        %gt3A_463 = arith.cmpf ogt, %get3A_460, %gt3A_462 : vector<16xf32>
        %select_n3A_464 = arith.select %gt3A_463, %add3A_411, %broadcast_in_dim3A_5 : vector<16xi1>, vector<16xf32>
        %add3A_465 = arith.addf %add3A_369, %select_n3A_464 : vector<16xf32>
        %get3A_466 = arith.index_cast %scan3A_115 : i32 to index
        %get3A_467 = arith.constant 464 : index
        %get3A_468 = tpu.vector_load %arg5[%get3A_466, %get3A_467] {strides = array<i32>} : memref<64x512xf32, #tpu.memory_space<vmem>>, vector<1x16xf32>,
        %get3A_469 = vector.shape_cast %get3A_468 : vector<1x16xf32> to vector<16xf32>
        %gt3A_470 = arith.constant -1.38629436 : f32
        %gt3A_471 = vector.broadcast %gt3A_470 : f32 to vector<16xf32>
        %gt3A_472 = arith.cmpf ogt, %get3A_469, %gt3A_471 : vector<16xf32>
        %select_n3A_473 = arith.select %gt3A_472, %add3A_414, %broadcast_in_dim3A_5 : vector<16xi1>, vector<16xf32>
        %add3A_474 = arith.addf %add3A_378, %select_n3A_473 : vector<16xf32>
        %get3A_475 = arith.index_cast %scan3A_115 : i32 to index
        %get3A_476 = arith.constant 480 : index
        %get3A_477 = tpu.vector_load %arg5[%get3A_475, %get3A_476] {strides = array<i32>} : memref<64x512xf32, #tpu.memory_space<vmem>>, vector<1x16xf32>,
        %get3A_478 = vector.shape_cast %get3A_477 : vector<1x16xf32> to vector<16xf32>
        %gt3A_479 = arith.constant -1.38629436 : f32
        %gt3A_480 = vector.broadcast %gt3A_479 : f32 to vector<16xf32>
        %gt3A_481 = arith.cmpf ogt, %get3A_478, %gt3A_480 : vector<16xf32>
        %select_n3A_482 = arith.select %gt3A_481, %add3A_417, %broadcast_in_dim3A_5 : vector<16xi1>, vector<16xf32>
        %add3A_483 = arith.addf %add3A_387, %select_n3A_482 : vector<16xf32>
        %get3A_484 = arith.index_cast %scan3A_115 : i32 to index
        %get3A_485 = arith.constant 496 : index
        %get3A_486 = tpu.vector_load %arg5[%get3A_484, %get3A_485] {strides = array<i32>} : memref<64x512xf32, #tpu.memory_space<vmem>>, vector<1x16xf32>,
        %get3A_487 = vector.shape_cast %get3A_486 : vector<1x16xf32> to vector<16xf32>
        %gt3A_488 = arith.constant -1.38629436 : f32
        %gt3A_489 = vector.broadcast %gt3A_488 : f32 to vector<16xf32>
        %gt3A_490 = arith.cmpf ogt, %get3A_487, %gt3A_489 : vector<16xf32>
        %select_n3A_491 = arith.select %gt3A_490, %add3A_420, %broadcast_in_dim3A_5 : vector<16xi1>, vector<16xf32>
        %add3A_492 = arith.addf %add3A_396, %select_n3A_491 : vector<16xf32>
        %add3A_493 = arith.addf %add3A_429, %add3A_438 : vector<16xf32>
        %add3A_494 = arith.addf %add3A_447, %add3A_456 : vector<16xf32>
        %add3A_495 = arith.addf %add3A_465, %add3A_474 : vector<16xf32>
        %add3A_496 = arith.addf %add3A_483, %add3A_492 : vector<16xf32>
        %add3A_497 = arith.addf %add3A_493, %add3A_494 : vector<16xf32>
        %add3A_498 = arith.addf %add3A_495, %add3A_496 : vector<16xf32>
        %add3A_499 = arith.addf %add3A_497, %add3A_498 : vector<16xf32>
        %mul3A_500 = arith.constant 3.81469727E-6 : f32
        %mul3A_501 = vector.broadcast %mul3A_500 : f32 to vector<16xf32>
        %mul3A_502 = arith.mulf %add3A_499, %mul3A_501 : vector<16xf32>
        %convert_element_type3A_503 = arith.fptosi %mul3A_502 : vector<16xf32> to vector<16xi32>
        %convert_element_type3A_504 = arith.sitofp %convert_element_type3A_503 : vector<16xi32> to vector<16xf32>
        %mul3A_505 = arith.constant 2.621440e+05 : f32
        %mul3A_506 = vector.broadcast %mul3A_505 : f32 to vector<16xf32>
        %mul3A_507 = arith.mulf %convert_element_type3A_504, %mul3A_506 : vector<16xf32>
        %sub3A = arith.subf %add3A_499, %mul3A_507 : vector<16xf32>
        %add3A_508 = arith.addi %add3A_74, %scan3A_115 : i32
        %convert_element_type3A_509 = arith.sitofp %add3A_508 : i32 to f32
        %add3A_510 = arith.addf %scan3A_116, %convert_element_type3A_504 : vector<16xf32>
        %add3A_511 = arith.addf %scan3A_117, %sub3A : vector<16xf32>
        %mul3A_512 = vector.broadcast %convert_element_type3A_509 : f32 to vector<16xf32>
        %mul3A_513 = arith.mulf %mul3A_512, %convert_element_type3A_504 : vector<16xf32>
        %add3A_514 = arith.addf %scan3A_118, %mul3A_513 : vector<16xf32>
        scf.yield %add3A_510, %add3A_511, %add3A_514 : vector<16xf32>, vector<16xf32>, vector<16xf32>
      }
      %scan3A_80 = arith.constant 64 : i32
      %mul3A_81 = arith.constant 2 : i32
      %mul3A_82 = arith.muli %mul3A_81, %scan3A_24 : i32
      %add3A_83 = arith.constant 2 : i32
      %add3A_84 = arith.addi %mul3A_82, %add3A_83 : i32
      %jit3A_85 = arith.constant 8 : i32
      %eq3A_86 = arith.constant 0 : i32
      %eq3A_87 = arith.cmpi eq, %jit3A_85, %eq3A_86 : i32
      %jit3A_88 = arith.constant 1 : i32
      %select_n3A_89 = arith.select %eq3A_87, %jit3A_88, %jit3A_85 : i32
      %rem3A_90 = arith.remsi %add3A_84, %select_n3A_89 : i32
      %ne3A_91 = arith.constant 0 : i32
      %ne3A_92 = arith.cmpi ne, %rem3A_90, %ne3A_91 : i32
      %lt3A_93 = arith.constant 0 : i32
      %lt3A_94 = arith.cmpi slt, %rem3A_90, %lt3A_93 : i32
      %lt3A_95 = arith.constant 0 : i32
      %lt3A_96 = arith.cmpi slt, %select_n3A_89, %lt3A_95 : i32
      %ne3A_97 = arith.xori %lt3A_94, %lt3A_96 : i1
      %and3A_98 = arith.andi %ne3A_97, %ne3A_92 : i1
      %add3A_99 = arith.addi %rem3A_90, %select_n3A_89 : i32
      %select_n3A_100 = arith.select %and3A_98, %add3A_99, %rem3A_90 : i32
      %eq3A_101 = arith.constant 0 : i32
      %eq3A_102 = arith.cmpi eq, %select_n3A_100, %eq3A_101 : i32
      %convert_element_type3A_103 = arith.extui %eq3A_102 : i1 to i32
      %cond3A_104 = arith.constant 0 : i32
      %cond3A_105 = arith.cmpi ne, %convert_element_type3A_103, %cond3A_104 : i32
      scf.if %cond3A_105 {
        %mul3A_115 = arith.constant 2 : i32
        %mul3A_116 = arith.muli %mul3A_115, %scan3A_24 : i32
        %add3A_117 = arith.constant 2 : i32
        %add3A_118 = arith.addi %mul3A_116, %add3A_117 : i32
        %jit3A_119 = arith.constant 8 : i32
        %div3A = arith.divsi %add3A_118, %jit3A_119 : i32
        %sign3A = arith.constant 0 : i32
        %sign3A_120 = arith.cmpi sgt, %add3A_118, %sign3A : i32
        %sign3A_121 = arith.extui %sign3A_120 : i1 to i32
        %sign3A_122 = arith.constant 0 : i32
        %sign3A_123 = arith.cmpi slt, %add3A_118, %sign3A_122 : i32
        %sign3A_124 = arith.extui %sign3A_123 : i1 to i32
        %sign3A_125 = arith.subi %sign3A_121, %sign3A_124 : i32
        %sign3A_126 = arith.constant 0 : i32
        %sign3A_127 = arith.cmpi sgt, %jit3A_119, %sign3A_126 : i32
        %sign3A_128 = arith.extui %sign3A_127 : i1 to i32
        %sign3A_129 = arith.constant 0 : i32
        %sign3A_130 = arith.cmpi slt, %jit3A_119, %sign3A_129 : i32
        %sign3A_131 = arith.extui %sign3A_130 : i1 to i32
        %sign3A_132 = arith.subi %sign3A_128, %sign3A_131 : i32
        %ne3A_133 = arith.cmpi ne, %sign3A_125, %sign3A_132 : i32
        %rem3A_134 = arith.remsi %add3A_118, %jit3A_119 : i32
        %ne3A_135 = arith.constant 0 : i32
        %ne3A_136 = arith.cmpi ne, %rem3A_134, %ne3A_135 : i32
        %and3A_137 = arith.andi %ne3A_133, %ne3A_136 : i1
        %sub3A = arith.constant 1 : i32
        %sub3A_138 = arith.subi %div3A, %sub3A : i32
        %select_n3A_139 = arith.select %and3A_137, %sub3A_138, %div3A : i32
        %sub3A_140 = arith.constant 1 : i32
        %sub3A_141 = arith.subi %select_n3A_139, %sub3A_140 : i32
        %mul3A_142 = arith.constant 48 : i32
        %mul3A_143 = arith.muli %sub3A_141, %mul3A_142 : i32
        %add3A_144 = arith.constant 0 : i32
        %add3A_145 = arith.addi %mul3A_143, %add3A_144 : i32
        %swap3A = arith.index_cast %add3A_145 : i32 to index
        %swap3A_146 = tpu.vector_load %arg6[%swap3A] {strides = array<i32>} : memref<96xf32, #tpu.memory_space<vmem>>, vector<16xf32>,
        %swap3A_147 = vector.shape_cast %swap3A_146 : vector<16xf32> to vector<16xf32>
        %swap3A_148 = vector.shape_cast %scan3A_79#0 : vector<16xf32> to vector<16xf32>
        tpu.vector_store %arg6[%swap3A], %swap3A_148 {strides = array<i32>} : memref<96xf32, #tpu.memory_space<vmem>>, vector<16xf32>,
        %mul3A_149 = arith.constant 48 : i32
        %mul3A_150 = arith.muli %sub3A_141, %mul3A_149 : i32
        %add3A_151 = arith.constant 16 : i32
        %add3A_152 = arith.addi %mul3A_150, %add3A_151 : i32
        %swap3A_153 = arith.index_cast %add3A_152 : i32 to index
        %swap3A_154 = tpu.vector_load %arg6[%swap3A_153] {strides = array<i32>} : memref<96xf32, #tpu.memory_space<vmem>>, vector<16xf32>,
        %swap3A_155 = vector.shape_cast %swap3A_154 : vector<16xf32> to vector<16xf32>
        %swap3A_156 = vector.shape_cast %scan3A_79#1 : vector<16xf32> to vector<16xf32>
        tpu.vector_store %arg6[%swap3A_153], %swap3A_156 {strides = array<i32>} : memref<96xf32, #tpu.memory_space<vmem>>, vector<16xf32>,
        %mul3A_157 = arith.constant 48 : i32
        %mul3A_158 = arith.muli %sub3A_141, %mul3A_157 : i32
        %add3A_159 = arith.constant 32 : i32
        %add3A_160 = arith.addi %mul3A_158, %add3A_159 : i32
        %swap3A_161 = arith.index_cast %add3A_160 : i32 to index
        %swap3A_162 = tpu.vector_load %arg6[%swap3A_161] {strides = array<i32>} : memref<96xf32, #tpu.memory_space<vmem>>, vector<16xf32>,
        %swap3A_163 = vector.shape_cast %swap3A_162 : vector<16xf32> to vector<16xf32>
        %swap3A_164 = vector.shape_cast %scan3A_79#2 : vector<16xf32> to vector<16xf32>
        tpu.vector_store %arg6[%swap3A_161], %swap3A_164 {strides = array<i32>} : memref<96xf32, #tpu.memory_space<vmem>>, vector<16xf32>,
      } else {
      }
      %jit3A_106 = arith.constant 0.000000e+00 : f32
      %jit3A_107 = arith.constant 1.000000e+00 : f32
      %select_n3A_108 = arith.select %eq3A_102, %jit3A_106, %jit3A_107 : f32
      %mul3A_109 = vector.broadcast %select_n3A_108 : f32 to vector<16xf32>
      %mul3A_110 = arith.mulf %scan3A_79#0, %mul3A_109 : vector<16xf32>
      %mul3A_111 = vector.broadcast %select_n3A_108 : f32 to vector<16xf32>
      %mul3A_112 = arith.mulf %scan3A_79#1, %mul3A_111 : vector<16xf32>
      %mul3A_113 = vector.broadcast %select_n3A_108 : f32 to vector<16xf32>
      %mul3A_114 = arith.mulf %scan3A_79#2, %mul3A_113 : vector<16xf32>
      scf.yield %mul3A_110, %mul3A_112, %mul3A_114 : vector<16xf32>, vector<16xf32>, vector<16xf32>
    }
    %scan3A_21 = arith.constant 8 : i32
    %mul3A_22 = arith.constant 96 : i32
    %mul3A_23 = arith.muli %add3A, %mul3A_22 : i32
    "tpu.region"() ({
      %run_scoped3A = tpu.sem_alloc : memref<!tpu.dma_semaphore, #tpu.memory_space<semaphore_mem>>
      %dma_start3A_24 = tpu.memref_slice %arg3[%mul3A_23] : memref<3072xf32, #tpu.memory_space<hbm>> -> memref<96xf32, #tpu.memory_space<hbm>>
      %dma_start3A_25 = tpu.memref_slice %arg3[%mul3A_23] : memref<3072xf32, #tpu.memory_space<hbm>> -> memref<96xf32, #tpu.memory_space<hbm>>
      tpu.enqueue_dma source(%arg6 : memref<96xf32, #tpu.memory_space<vmem>>) target(%dma_start3A_25 : memref<96xf32, #tpu.memory_space<hbm>>) target_semaphore(%run_scoped3A : memref<!tpu.dma_semaphore, #tpu.memory_space<semaphore_mem>>)
      %dma_wait3A = tpu.memref_slice %arg3[%mul3A_23] : memref<3072xf32, #tpu.memory_space<hbm>> -> memref<96xf32, #tpu.memory_space<hbm>>
      %dma_wait3A_26 = tpu.memref_slice %arg3[%mul3A_23] : memref<3072xf32, #tpu.memory_space<hbm>> -> memref<96xf32, #tpu.memory_space<hbm>>
      tpu.wait_dma2 semaphore(%run_scoped3A : memref<!tpu.dma_semaphore, #tpu.memory_space<semaphore_mem>>) src(%arg6 : memref<96xf32, #tpu.memory_space<vmem>>) dst(%dma_wait3A_26 : memref<96xf32, #tpu.memory_space<hbm>>)
      tpu.yield
    }) : () -> ()
    return
  }
}

</mosaic_0001>

<sc_bundles>
// kernel: kernel.3.cloned.1.call-start
scs
__scs_entry_jumppad:
0x0: {  	(pc) =	sbr.rel $0x88, $3  }
0x1: {  	(tag) =	ssettag $0x0;
	lr =	simm.s32 $0x1  }
0x2: {  	[smem:$0x3F9E] =	sst lr;
	_ =	strace $0xD0000000  }
0x3: {  	_ = 	snop  }
0x4: {  	_ = 	snop  }
0x5: {  	_ = 	snop  }
0x6: {  	_ = 	snop  }
0x7: {  	_ = 	snop  }
__scs_overlays_trampoline_lowered:
0x8: {  	[smem:$0x3FAD] =	sst s0  }
0x9: {  	[smem:$0x3FAE] =	sst s1  }
0xa: {  	[smem:$0x3FAF] =	sst s2  }
0xb: {  	[smem:$0x3FB0] =	sst s3  }
0xc: {  	[smem:$0x3FB1] =	sst s4  }
0xd: {  	[smem:$0x3FB2] =	sst s5  }
0xe: {  	[smem:$0x3FB3] =	sst s6  }
0xf: {  	[smem:$0x3FB4] =	sst s7  }
0x10: {  	[smem:$0x3FB5] =	sst s8  }
0x11: {  	[smem:$0x3FB6] =	sst s9;
	s0 =	simm.s32 @!p0 $0x0  }
0x12: {  	s1 =	sld [smem:$0x3F9C];
	s0 =	simm.s32 @p0 $0x1  }
0x13: {  	[smem:$0x3FB7] =	sst s0;
	s0 =	simm.s32 @!p1 $0x0  }
0x14: {  	s2 =	sld [smem:$0x3F9B];
	s0 =	simm.s32 @p1 $0x1  }
0x15: {  	[smem:$0x3FB8] =	sst s0;
	s0 =	simm.s32 @!p2 $0x0  }
0x16: {  	s3 =	sld [smem:$0x3FDB];
	s0 =	simm.s32 @p2 $0x1  }
0x17: {  	s4 =	simm.s32 $0x1BF5;
	[smem:$0x3FBA] =	sst s0  }
0x18: {  	s0 =	sld [smem:$0x3F9D];
	_ =	swait.ge [sflag:s4], $0x0  }
0x19: {  	s7 =	sld [smem:$0x3F9E]  }
0x1a: {  	s8 =	sadd.s32 $0xFFFFE003, lr  }
0x1b: {  	s9 =	sadd.s32 $0xFFFFFEF7, lr;
	s5 =	simm.s32 $0xFFFFFFFF;
	p2 =	slt.u32 s8, $0xFFFFF086  }
0x1c: {  	p1 =	slt.u32 s9, $0xF7A;
	s5 =	simm.s32 @!p2 $0x0  }
0x1d: {  	s5 =	simm.s32 @p1 $0x1;
	p0 =	seq.s32 s7, s2  }
0x1e: {  	s7 =	smul.u32 @!p0 $0xF7A, s2;
	p2 =	seq.s32 @!p0 s5, $0x0  }
0x1f: {  	s9 =	smul.u32 $0xF7A, s1;
	s8 =	simm.s32 @!p0 $0x1BF5;
	p2 =	por !p2, p0  }
0x20: {  	[sflag:s8] =	ssyncset.s32 @!p0 $0xFFFFF086;
	s6 =	sadd.s32 @!p0 s3, s7;
	s7 =	simm.s32 @!p0 $0x108  }
0x21: {  	s3 =	sadd.s32 s3, s9;
	s6 =	sadd.s32 @!p0 $0x88, s6;
	s7 =	simm.s32 @p2 $0x1082  }
0x22: {  	[simem:s7], [sflag:s8] =	dma.local @!p0 [hbm:s6], $0xF7A  }
0x23: {  	s9 =	sor.u32 $0xD0000000, s2;
	s6 =	simm.s32 $0x108;
	_ =	swait.ge @!p0 [sflag:s8], $0x0  }
0x24: {  	s3 =	sadd.s32 $0x88, s3;
	s6 =	simm.s32 @!p1 $0x1082;
	[sflag:s4] =	ssyncset.s32 $0xFFFFF086  }
0x25: {  	[simem:s6], [sflag:s4] =	dma.local [hbm:s3], $0xF7A  }
0x26: {  	[smem:$0x3F9E] =	sst s1;
	(tag) =	ssettag s2;
	_ =	strace s9  }
0x27: {  	s1 =	sld [smem:$0x3FAE]  }
0x28: {  	s2 =	sld [smem:$0x3FAF]  }
0x29: {  	s4 =	sld [smem:$0x3FB1]  }
0x2a: {  	p0 =	seq.s32 s5, $0x0;
	s5 =	sld [smem:$0x3FB2]  }
0x2b: {  	s6 =	sld [smem:$0x3FB3]  }
0x2c: {  	s7 =	sld [smem:$0x3FB4]  }
0x2d: {  	s3 =	simm.s32 $0x108;
	s8 =	sld [smem:$0x3FB5]  }
0x2e: {  	s3 =	simm.s32 @!p0 $0x1082;
	s9 =	sld [smem:$0x3FB6]  }
0x2f: {  	lr =	sadd.s32 s0, s3;
	s0 =	sld [smem:$0x3FAD]  }
0x30: {  	s3 =	sld [smem:$0x3FB0]  }
0x31: {  	[smem:$0x3FB9] =	sst s10  }
0x32: {  	s10 =	sld [smem:$0x3FB7];
	_ =	sdelay $0x3  }
0x33: {  	p0 =	seq.s32 s10, $0x1;
	s10 =	sld [smem:$0x3FB9];
	_ =	sdelay $0x3  }
0x34: {  	[smem:$0x3FB9] =	sst s10  }
0x35: {  	s10 =	sld [smem:$0x3FB8];
	_ =	sdelay $0x3  }
0x36: {  	p1 =	seq.s32 s10, $0x1;
	s10 =	sld [smem:$0x3FB9];
	_ =	sdelay $0x3  }
0x37: {  	[smem:$0x3FB9] =	sst s10  }
0x38: {  	s10 =	sld [smem:$0x3FBA]  }
0x39: {  	_ = 	snop;
	(pc) =	sbr.ind lr, $3  }
0x3a: {  	_ = 	snop  }
0x3b: {  	_ = 	snop  }
0x3c: {  	p2 =	seq.s32 s10, $0x1;
	s10 =	sld [smem:$0x3FB9]  }
0x3d: {  	_ =	shalt  }
0x3e: {  	_ =	shalt  }
0x3f: {  	_ =	shalt  }
0x40: {  	_ =	shalt  }
0x41: {  	_ =	shalt  }
0x42: {  	_ =	shalt  }
0x43: {  	_ =	shalt  }
0x44: {  	_ =	shalt  }
0x45: {  	_ =	shalt  }
0x46: {  	_ =	shalt  }
0x47: {  	_ =	shalt  }
0x48: {  	_ =	shalt  }
0x49: {  	_ =	shalt  }
0x4a: {  	_ =	shalt  }
0x4b: {  	_ =	shalt  }
0x4c: {  	_ =	shalt  }
0x4d: {  	_ =	shalt  }
0x4e: {  	_ =	shalt  }
0x4f: {  	_ =	shalt  }
0x50: {  	_ =	shalt  }
0x51: {  	_ =	shalt  }
0x52: {  	_ =	shalt  }
0x53: {  	_ =	shalt  }
0x54: {  	_ =	shalt  }
0x55: {  	_ =	shalt  }
0x56: {  	_ =	shalt  }
0x57: {  	_ =	shalt  }
0x58: {  	_ =	shalt  }
0x59: {  	_ =	shalt  }
0x5a: {  	_ =	shalt  }
0x5b: {  	_ =	shalt  }
0x5c: {  	_ =	shalt  }
0x5d: {  	_ =	shalt  }
0x5e: {  	_ =	shalt  }
0x5f: {  	_ =	shalt  }
0x60: {  	_ =	shalt  }
0x61: {  	_ =	shalt  }
0x62: {  	_ =	shalt  }
0x63: {  	_ =	shalt  }
0x64: {  	_ =	shalt  }
0x65: {  	_ =	shalt  }
0x66: {  	_ =	shalt  }
0x67: {  	_ =	shalt  }
0x68: {  	_ =	shalt  }
0x69: {  	_ =	shalt  }
0x6a: {  	_ =	shalt  }
0x6b: {  	_ =	shalt  }
0x6c: {  	_ =	shalt  }
0x6d: {  	_ =	shalt  }
0x6e: {  	_ =	shalt  }
0x6f: {  	_ =	shalt  }
0x70: {  	_ =	shalt  }
0x71: {  	_ =	shalt  }
0x72: {  	_ =	shalt  }
0x73: {  	_ =	shalt  }
0x74: {  	_ =	shalt  }
0x75: {  	_ =	shalt  }
0x76: {  	_ =	shalt  }
0x77: {  	_ =	shalt  }
0x78: {  	_ =	shalt  }
0x79: {  	_ =	shalt  }
0x7a: {  	_ =	shalt  }
0x7b: {  	_ =	shalt  }
0x7c: {  	_ =	shalt  }
0x7d: {  	_ =	shalt  }
0x7e: {  	_ =	shalt  }
0x7f: {  	_ =	shalt  }
0x80: {  	_ =	shalt  }
0x81: {  	_ =	shalt  }
0x82: {  	_ =	shalt  }
0x83: {  	_ =	shalt  }
0x84: {  	_ =	shalt  }
0x85: {  	_ =	shalt  }
0x86: {  	_ =	shalt  }
0x87: {  	_ =	shalt  }
.Lfunc_end0:
.L_simem_size_0:
called_computation_lowered:
.L_overlay_start_0:
0x88: {  	s2 =	sld [smem:$0x3FD9]  }
0x89: {  	s3 =	sld [smem:$0x3FFE];
	_ =	sdelay $0x1  }
0x8a: {  	s1 =	srdreg.scid  }
0x8b: {  	s0 =	sand.u32 $0x1, s1  }
0x8c: {  	s17 =	sshll.u32 s0, $0xA;
	s2 =	sadd.s32 s3, s2  }
0x8d: {  	s2 =	sadd.s32 s2, s17  }
0x8e: {  	[smem:$0x3FC5] =	sst s2  }
0x8f: {  	_ = 	snop  }
0x90: {  	s2 =	sld [smem:$0x3FC9];
	(tm) =	ssettm $0x1  }
0x91: {  	s18 =	sld [smem:$0x3FFB];
	_ =	sdelay $0x3  }
0x92: {  	_ =	strace s18  }
0x93: {  	s3 =	sld [smem:$0x3FFC];
	_ =	sdelay $0x3  }
0x94: {  	_ =	strace s3  }
0x95: {  	s3 =	sld [smem:$0x3FFD];
	_ =	sdelay $0x3  }
0x96: {  	_ =	strace s3  }
0x97: {  	_ =	strace $0x8FFFFFFF  }
0x98: {  	s19 =	sld [smem:$0x3FDB];
	_ =	sdelay $0x1  }
0x99: {  	s4 =	simm.s32 $_scs_section_size  }
0x9a: {  	s5 =	simm.s32 $_size__tile_overlayer_lowered;
	s6 =	simm.s32 $_tile_overlayer_lowered  }
0x9b: {  	s22 =	simm.s32 $0x1BFF;
	s21 =	sshll.u32 s6, $0x1;
	s3 =	sadd.s32 s4, s19  }
0x9c: {  	s7 =	simm.s32 $0x0;
	s20 =	sshll.u32 s5, $0x1;
	s5 =	sadd.s32 s21, s3  }
0x9d: {  	[timem:s7], [sflag:s22] =	dma.local [hbm:s5], s20  }
0x9e: {  	_ =	swait.ge [sflag:s22], s20  }
0x9f: {  	s4 =	ssub.s32 $0x0, s20;
	[sflag:s22] =	ssyncset.done $0x0  }
0xa0: {  	[sflag:s22] =	ssyncadd.s32 s4;
	_ =	sdelay $0x1  }
0xa1: {  	s23 =	simm.s32 $0x1B8B  }
0xa2: {  	_ =	swait.ge [sflag:s23], $0x1  }
0xa3: {  	[sflag:s23] =	ssyncset.done $0x0  }
0xa4: {  	s25 =	simm.s32 $0x1B8E;
	s24 =	sld [smem:$0x3FFE];
	[sflag:s23] =	ssyncadd.s32 $0xFFFFFFFF  }
0xa5: {  	s26 =	simm.s32 $execute0_lowered;
	[smem:$0x3FD2] =	sst s25  }
0xa6: {  	s5 =	sshll.u32 s26, $0x1;
	_ =	strace $0x80000046;
	[dreg:$0x1] =	wrdreg $0xFFFFFFFF  }
0xa7: {  	s28 =	simm.s32 $_size_execute0_lowered;
	s3 =	sadd.s32 s3, s5;
	[dreg:$0x0] =	wrdreg $0x0  }
0xa8: {  	s5 =	sshll.u32 s28, $0x1;
	[dreg:$0x2] =	wrdreg s3  }
0xa9: {  	[dreg:$0x3] =	wrdreg s5  }
0xaa: {  	[dreg:$0x4] =	wrdreg $0xC0  }
0xab: {  	_ =	task [dreg:s7], $0x5FFFF  }
0xac: {  	[dreg:$0x1] =	wrdreg $0xFFFFFFFF  }
0xad: {  	[dreg:$0x0] =	wrdreg $0x60  }
0xae: {  	[dreg:$0x2] =	wrdreg s2  }
0xaf: {  	[dreg:$0x3] =	wrdreg s24  }
0xb0: {  	[dreg:$0x4] =	wrdreg $0x9  }
0xb1: {  	_ =	task.clear_ibuf [dreg:s7], $0x5FFFF;
	_ =	strace $0x90000046  }
0xb2: {  	s29 =	simm.s32 $0x9;
	_ =	strace $0x80000048  }
0xb3: {  	_ =	swait.ge [sflag:s29], $0x1  }
0xb4: {  	[sflag:s29] =	ssyncadd.s32 $0xFFFFFFFF  }
0xb5: {  	_ =	strace $0x90000048  }
0xb6: {  	_ =	sfence  }
0xb7: {  	s30 =	sld [smem:$0x0];
	_ =	sdelay $0x2  }
0xb8: {  	s31 =	sshll.u32 s1, $0xD;
	s1 =	sshrl.u32 s1, $0x2  }
0xb9: {  	s3 =	sand.u32 $0x4000, s31;
	s1 =	sadd.s32 s1, s30  }
0xba: {  	s0 =	sor.u32 s3, s0;
	s1 =	sshll.u32 s1, $0x11  }
0xbb: {  	s0 =	sor.u32 s1, s0  }
0xbc: {  	s0 =	sadd.s32 $0x8F2B, s0  }
0xbd: {  	[sflag:s0] =	ssyncadd.remote.s32 $0x1  }
0xbe: {  	_ =	sfence.sel $0xFFFF  }
0xbf: {  	[dreg:$0x0] =	wrdreg $0xFFFFFFFF;
	(pc) =	sbr.abs _section_cstart, $3  }
0xc0: {  	[dreg:$0x1] =	wrdreg $0xFFFFFFFF  }
0xc1: {  	_ =	task.clear_ibuf [dreg:s7], $0x2FFFF;
	_ =	strace $0x9FFFFFFF  }
0xc2: {  	(tm) =	ssettm $0x7FFFFFFF  }
0xc3: {  	_ =	shalt  }
tec
execute0_lowered:
.L_overlay_start_1:
0x0: {  	(tag) =	ssettag $0x1  }
0x1: {  	v0 =	vimm.f32 $2.621590000e+05;
	vm0 =	vcmask $0x300;
	v1 =	vimm.f32 $2.621750000e+05  }
0x2: {  	vm1 =	vcmask $0x704;
	vm2 =	vcmask $0xB08;
	vm3 =	vcmask $0xF0C  }
0x3: {  	vm4 =	vcmask $0x1310;
	vm5 =	vcmask $0x1714;
	vm6 =	vcmask $0x1B18  }
0x4: {  	vm7 =	vcmask $0x1F1C;
	vm8 =	vcmask $0x2320;
	vm9 =	vcmask $0x2724  }
0x5: {  	vm10 =	vcmask $0x2B28;
	vm12 =	vcmask $0x2F2C;
	vm13 =	vcmask $0x3330  }
0x6: {  	vm11 =	vcmask $0x3734;
	vm14 =	vcmask $0x3B38;
	v2 =	vimm.f32 $2.621910000e+05  }
0x7: {  	v3 =	vimm.f32 $2.622070000e+05;
	v4 =	vimm.f32 $2.622230000e+05;
	v5 =	vimm.f32 $2.622390000e+05  }
0x8: {  	v6 =	vimm.f32 $2.622550000e+05;
	v7 =	vimm.f32 $2.622710000e+05;
	v8 =	vimm.f32 $2.622870000e+05  }
0x9: {  	v9 =	vimm.f32 $2.623030000e+05;
	v10 =	vimm.f32 $2.623190000e+05;
	v11 =	vimm.f32 $2.623350000e+05  }
0xa: {  	v12 =	vimm.f32 $2.623510000e+05;
	v13 =	vimm.f32 $2.623670000e+05;
	v14 =	vimm.f32 $2.623830000e+05  }
0xb: {  	v15 =	vimm.f32 $2.623990000e+05;
	v16 =	vimm.f32 $2.624150000e+05;
	v17 =	vimm.f32 $2.624310000e+05  }
0xc: {  	v18 =	vimm.f32 $2.624470000e+05;
	v19 =	vimm.f32 $2.624630000e+05;
	v20 =	vimm.f32 $2.624790000e+05  }
0xd: {  	v21 =	vimm.f32 $2.624950000e+05;
	v22 =	vimm.f32 $2.625110000e+05;
	v23 =	vimm.f32 $2.625270000e+05  }
0xe: {  	v24 =	vimm.f32 $2.625430000e+05;
	v25 =	vimm.f32 $2.625590000e+05;
	v26 =	vimm.f32 $2.625750000e+05  }
0xf: {  	v27 =	vimm.f32 $2.625910000e+05;
	v28 =	vimm.f32 $2.626070000e+05;
	v29 =	vimm.f32 $2.626230000e+05  }
0x10: {  	v30 =	vimm.f32 $2.626390000e+05;
	v31 =	vimm.f32 $2.626550000e+05;
	v0 =	vsel vm0, $0x48800000, v0  }
0x11: {  	v1 =	vsel vm0, $0x48800200, v1;
	v2 =	vsel vm0, $0x48800400, v2;
	v3 =	vsel vm0, $0x48800600, v3  }
0x12: {  	v4 =	vsel vm0, $0x48800800, v4;
	v5 =	vsel vm0, $0x48800A00, v5;
	v6 =	vsel vm0, $0x48800C00, v6  }
0x13: {  	v7 =	vsel vm0, $0x48800E00, v7;
	v8 =	vsel vm0, $0x48801000, v8;
	v9 =	vsel vm0, $0x48801200, v9  }
0x14: {  	v10 =	vsel vm0, $0x48801400, v10;
	v11 =	vsel vm0, $0x48801600, v11;
	v12 =	vsel vm0, $0x48801800, v12  }
0x15: {  	s2 =	simm.s32 $0x0;
	v13 =	vsel vm0, $0x48801A00, v13;
	v14 =	vsel vm0, $0x48801C00, v14;
	v15 =	vsel vm0, $0x48801E00, v15  }
0x16: {  	[smem:$0x7FF] =	sst s2;
	v16 =	vsel vm0, $0x48802000, v16;
	v17 =	vsel vm0, $0x48802200, v17;
	v18 =	vsel vm0, $0x48802400, v18  }
0x17: {  	v19 =	vsel vm0, $0x48802600, v19;
	v20 =	vsel vm0, $0x48802800, v20;
	v21 =	vsel vm0, $0x48802A00, v21  }
0x18: {  	v22 =	vsel vm0, $0x48802C00, v22;
	v23 =	vsel vm0, $0x48802E00, v23;
	v24 =	vsel vm0, $0x48803000, v24  }
0x19: {  	s1 =	rddreg [dreg:$0x0];
	v25 =	vsel vm0, $0x48803200, v25;
	v26 =	vsel vm0, $0x48803400, v26;
	v27 =	vsel vm0, $0x48803600, v27  }
0x1a: {  	s7 =	rddreg [dreg:$0x1];
	v28 =	vsel vm0, $0x48803800, v28;
	v29 =	vsel vm0, $0x48803A00, v29;
	v30 =	vsel vm0, $0x48803C00, v30  }
0x1b: {  	s0 =	rddreg [dreg:$0x2];
	v31 =	vsel vm0, $0x48803E00, v31;
	_ =	strace $0x80000047;
	v0 =	vsel vm1, $0x48800020, v0  }
0x1c: {  	v1 =	vsel vm1, $0x48800220, v1;
	v2 =	vsel vm1, $0x48800420, v2;
	v3 =	vsel vm1, $0x48800620, v3  }
0x1d: {  	v4 =	vsel vm1, $0x48800820, v4;
	v5 =	vsel vm1, $0x48800A20, v5;
	v6 =	vsel vm1, $0x48800C20, v6  }
0x1e: {  	v7 =	vsel vm1, $0x48800E20, v7;
	v8 =	vsel vm1, $0x48801020, v8;
	v9 =	vsel vm1, $0x48801220, v9  }
0x1f: {  	v10 =	vsel vm1, $0x48801420, v10;
	v11 =	vsel vm1, $0x48801620, v11;
	v12 =	vsel vm1, $0x48801820, v12  }
0x20: {  	v13 =	vsel vm1, $0x48801A20, v13;
	v14 =	vsel vm1, $0x48801C20, v14;
	v15 =	vsel vm1, $0x48801E20, v15  }
0x21: {  	v16 =	vsel vm1, $0x48802020, v16;
	v17 =	vsel vm1, $0x48802220, v17;
	v18 =	vsel vm1, $0x48802420, v18  }
0x22: {  	v19 =	vsel vm1, $0x48802620, v19;
	v20 =	vsel vm1, $0x48802820, v20;
	v21 =	vsel vm1, $0x48802A20, v21  }
0x23: {  	v22 =	vsel vm1, $0x48802C20, v22;
	v23 =	vsel vm1, $0x48802E20, v23;
	v24 =	vsel vm1, $0x48803020, v24  }
0x24: {  	s4 =	srdreg.scid;
	s3 =	stileid.u32;
	v25 =	vsel vm1, $0x48803220, v25;
	v26 =	vsel vm1, $0x48803420, v26;
	v27 =	vsel vm1, $0x48803620, v27  }
0x25: {  	s9 =	sand.u32 $0x1, s4;
	s31 =	sshll.u32 s3, $0x1;
	v28 =	vsel vm1, $0x48803820, v28;
	v29 =	vsel vm1, $0x48803A20, v29;
	v30 =	vsel vm1, $0x48803C20, v30  }
0x26: {  	s4 =	sor.u32 s9, s31;
	v31 =	vsel vm1, $0x48803E20, v31;
	v0 =	vsel vm2, $0x48800040, v0;
	v1 =	vsel vm2, $0x48800240, v1  }
0x27: {  	s8 =	smul.u32 $0xC, s4;
	s10 =	sshll.u32 s4, $0xA;
	v2 =	vsel vm2, $0x48800440, v2;
	v3 =	vsel vm2, $0x48800640, v3  }
0x28: {  	v4 =	vsel vm2, $0x48800840, v4;
	v5 =	vsel vm2, $0x48800A40, v5;
	v6 =	vsel vm2, $0x48800C40, v6  }
0x29: {  	v7 =	vsel vm2, $0x48800E40, v7;
	v8 =	vsel vm2, $0x48801040, v8;
	v9 =	vsel vm2, $0x48801240, v9  }
0x2a: {  	v10 =	vsel vm2, $0x48801440, v10;
	v11 =	vsel vm2, $0x48801640, v11;
	v12 =	vsel vm2, $0x48801840, v12  }
0x2b: {  	v13 =	vsel vm2, $0x48801A40, v13;
	v14 =	vsel vm2, $0x48801C40, v14;
	v15 =	vsel vm2, $0x48801E40, v15  }
0x2c: {  	v16 =	vsel vm2, $0x48802040, v16;
	v17 =	vsel vm2, $0x48802240, v17;
	v18 =	vsel vm2, $0x48802440, v18  }
0x2d: {  	v19 =	vsel vm2, $0x48802640, v19;
	v20 =	vsel vm2, $0x48802840, v20;
	v21 =	vsel vm2, $0x48802A40, v21  }
0x2e: {  	v22 =	vsel vm2, $0x48802C40, v22;
	v23 =	vsel vm2, $0x48802E40, v23;
	v24 =	vsel vm2, $0x48803040, v24  }
0x2f: {  	v25 =	vsel vm2, $0x48803240, v25;
	v26 =	vsel vm2, $0x48803440, v26;
	v27 =	vsel vm2, $0x48803640, v27  }
0x30: {  	v28 =	vsel vm2, $0x48803840, v28;
	v29 =	vsel vm2, $0x48803A40, v29;
	v30 =	vsel vm2, $0x48803C40, v30  }
0x31: {  	v31 =	vsel vm2, $0x48803E40, v31;
	v0 =	vsel vm3, $0x48800060, v0;
	v1 =	vsel vm3, $0x48800260, v1  }
0x32: {  	v2 =	vsel vm3, $0x48800460, v2;
	v3 =	vsel vm3, $0x48800660, v3;
	v4 =	vsel vm3, $0x48800860, v4  }
0x33: {  	v5 =	vsel vm3, $0x48800A60, v5;
	v6 =	vsel vm3, $0x48800C60, v6;
	v7 =	vsel vm3, $0x48800E60, v7  }
0x34: {  	v8 =	vsel vm3, $0x48801060, v8;
	v9 =	vsel vm3, $0x48801260, v9;
	v10 =	vsel vm3, $0x48801460, v10  }
0x35: {  	v11 =	vsel vm3, $0x48801660, v11;
	v12 =	vsel vm3, $0x48801860, v12;
	v13 =	vsel vm3, $0x48801A60, v13  }
0x36: {  	v14 =	vsel vm3, $0x48801C60, v14;
	v15 =	vsel vm3, $0x48801E60, v15;
	v16 =	vsel vm3, $0x48802060, v16  }
0x37: {  	v17 =	vsel vm3, $0x48802260, v17;
	v18 =	vsel vm3, $0x48802460, v18;
	v19 =	vsel vm3, $0x48802660, v19  }
0x38: {  	v20 =	vsel vm3, $0x48802860, v20;
	v21 =	vsel vm3, $0x48802A60, v21;
	v22 =	vsel vm3, $0x48802C60, v22  }
0x39: {  	v23 =	vsel vm3, $0x48802E60, v23;
	v24 =	vsel vm3, $0x48803060, v24;
	v25 =	vsel vm3, $0x48803260, v25  }
0x3a: {  	s5 =	sshll.u32 s4, $0x10;
	v26 =	vsel vm3, $0x48803460, v26;
	v27 =	vsel vm3, $0x48803660, v27;
	v28 =	vsel vm3, $0x48803860, v28  }
0x3b: {  	s4 =	sadd.s32 s1, s5;
	v29 =	vsel vm3, $0x48803A60, v29;
	v30 =	vsel vm3, $0x48803C60, v30;
	v31 =	vsel vm3, $0x48803E60, v31  }
0x3c: {  	s13 =	simm.s32 $0x10000;
	v0 =	vsel vm4, $0x48800080, v0;
	v1 =	vsel vm4, $0x48800280, v1;
	s5 =	sadd.s32 $0x1000, s4  }
0x3d: {  	v2 =	vsel vm4, $0x48800480, v2;
	v3 =	vsel vm4, $0x48800680, v3;
	v4 =	vsel vm4, $0x48800880, v4  }
0x3e: {  	v5 =	vsel vm4, $0x48800A80, v5;
	v6 =	vsel vm4, $0x48800C80, v6;
	v7 =	vsel vm4, $0x48800E80, v7  }
0x3f: {  	v8 =	vsel vm4, $0x48801080, v8;
	v9 =	vsel vm4, $0x48801280, v9;
	v10 =	vsel vm4, $0x48801480, v10  }
0x40: {  	v11 =	vsel vm4, $0x48801680, v11;
	v12 =	vsel vm4, $0x48801880, v12;
	v13 =	vsel vm4, $0x48801A80, v13  }
0x41: {  	v14 =	vsel vm4, $0x48801C80, v14;
	v15 =	vsel vm4, $0x48801E80, v15;
	v16 =	vsel vm4, $0x48802080, v16  }
0x42: {  	v17 =	vsel vm4, $0x48802280, v17;
	v18 =	vsel vm4, $0x48802480, v18;
	v19 =	vsel vm4, $0x48802680, v19  }
0x43: {  	v20 =	vsel vm4, $0x48802880, v20;
	v21 =	vsel vm4, $0x48802A80, v21;
	v22 =	vsel vm4, $0x48802C80, v22  }
0x44: {  	v23 =	vsel vm4, $0x48802E80, v23;
	v24 =	vsel vm4, $0x48803080, v24;
	v25 =	vsel vm4, $0x48803280, v25  }
0x45: {  	v26 =	vsel vm4, $0x48803480, v26;
	v27 =	vsel vm4, $0x48803680, v27;
	v28 =	vsel vm4, $0x48803880, v28  }
0x46: {  	v29 =	vsel vm4, $0x48803A80, v29;
	v30 =	vsel vm4, $0x48803C80, v30;
	v31 =	vsel vm4, $0x48803E80, v31  }
0x47: {  	v0 =	vsel vm5, $0x488000A0, v0;
	v1 =	vsel vm5, $0x488002A0, v1;
	v2 =	vsel vm5, $0x488004A0, v2  }
0x48: {  	s7 =	sadd.s32 s8, s7;
	v3 =	vsel vm5, $0x488006A0, v3;
	v4 =	vsel vm5, $0x488008A0, v4;
	v5 =	vsel vm5, $0x48800AA0, v5  }
0x49: {  	s8 =	simm.s32 $0x8000;
	v6 =	vsel vm5, $0x48800CA0, v6;
	v7 =	vsel vm5, $0x48800EA0, v7;
	s7 =	sadd.s32 $0xC00, s7  }
0x4a: {  	v8 =	vsel vm5, $0x488010A0, v8;
	v9 =	vsel vm5, $0x488012A0, v9;
	v10 =	vsel vm5, $0x488014A0, v10  }
0x4b: {  	v11 =	vsel vm5, $0x488016A0, v11;
	v12 =	vsel vm5, $0x488018A0, v12;
	v13 =	vsel vm5, $0x48801AA0, v13  }
0x4c: {  	v14 =	vsel vm5, $0x48801CA0, v14;
	v15 =	vsel vm5, $0x48801EA0, v15;
	v16 =	vsel vm5, $0x488020A0, v16  }
0x4d: {  	v17 =	vsel vm5, $0x488022A0, v17;
	v18 =	vsel vm5, $0x488024A0, v18;
	v19 =	vsel vm5, $0x488026A0, v19  }
0x4e: {  	v20 =	vsel vm5, $0x488028A0, v20;
	v21 =	vsel vm5, $0x48802AA0, v21;
	v22 =	vsel vm5, $0x48802CA0, v22  }
0x4f: {  	v23 =	vsel vm5, $0x48802EA0, v23;
	v24 =	vsel vm5, $0x488030A0, v24;
	v25 =	vsel vm5, $0x488032A0, v25  }
0x50: {  	v26 =	vsel vm5, $0x488034A0, v26;
	v27 =	vsel vm5, $0x488036A0, v27;
	v28 =	vsel vm5, $0x488038A0, v28  }
0x51: {  	v29 =	vsel vm5, $0x48803AA0, v29;
	v30 =	vsel vm5, $0x48803CA0, v30;
	v31 =	vsel vm5, $0x48803EA0, v31  }
0x52: {  	s6 =	sor.u32 $0xC0, s10;
	v0 =	vsel vm6, $0x488000C0, v0;
	v1 =	vsel vm6, $0x488002C0, v1;
	v2 =	vsel vm6, $0x488004C0, v2  }
0x53: {  	v3 =	vsel vm6, $0x488006C0, v3;
	v4 =	vsel vm6, $0x488008C0, v4;
	v5 =	vsel vm6, $0x48800AC0, v5  }
0x54: {  	v6 =	vsel vm6, $0x48800CC0, v6;
	v7 =	vsel vm6, $0x48800EC0, v7;
	v8 =	vsel vm6, $0x488010C0, v8  }
0x55: {  	v9 =	vsel vm6, $0x488012C0, v9;
	v10 =	vsel vm6, $0x488014C0, v10;
	v11 =	vsel vm6, $0x488016C0, v11  }
0x56: {  	v12 =	vsel vm6, $0x488018C0, v12;
	v13 =	vsel vm6, $0x48801AC0, v13;
	v14 =	vsel vm6, $0x48801CC0, v14  }
0x57: {  	v15 =	vsel vm6, $0x48801EC0, v15;
	v16 =	vsel vm6, $0x488020C0, v16;
	v17 =	vsel vm6, $0x488022C0, v17  }
0x58: {  	v18 =	vsel vm6, $0x488024C0, v18;
	v19 =	vsel vm6, $0x488026C0, v19;
	v20 =	vsel vm6, $0x488028C0, v20  }
0x59: {  	v21 =	vsel vm6, $0x48802AC0, v21;
	v22 =	vsel vm6, $0x48802CC0, v22;
	v23 =	vsel vm6, $0x48802EC0, v23  }
0x5a: {  	v24 =	vsel vm6, $0x488030C0, v24;
	v25 =	vsel vm6, $0x488032C0, v25;
	v26 =	vsel vm6, $0x488034C0, v26  }
0x5b: {  	v27 =	vsel vm6, $0x488036C0, v27;
	v28 =	vsel vm6, $0x488038C0, v28;
	v29 =	vsel vm6, $0x48803AC0, v29  }
0x5c: {  	v30 =	vsel vm6, $0x48803CC0, v30;
	v31 =	vsel vm6, $0x48803EC0, v31;
	v0 =	vsel vm7, $0x488000E0, v0  }
0x5d: {  	v1 =	vsel vm7, $0x488002E0, v1;
	v2 =	vsel vm7, $0x488004E0, v2;
	v3 =	vsel vm7, $0x488006E0, v3  }
0x5e: {  	v4 =	vsel vm7, $0x488008E0, v4;
	v5 =	vsel vm7, $0x48800AE0, v5;
	v6 =	vsel vm7, $0x48800CE0, v6  }
0x5f: {  	v7 =	vsel vm7, $0x48800EE0, v7;
	v8 =	vsel vm7, $0x488010E0, v8;
	v9 =	vsel vm7, $0x488012E0, v9  }
0x60: {  	v10 =	vsel vm7, $0x488014E0, v10;
	v11 =	vsel vm7, $0x488016E0, v11;
	v12 =	vsel vm7, $0x488018E0, v12  }
0x61: {  	v13 =	vsel vm7, $0x48801AE0, v13;
	v14 =	vsel vm7, $0x48801CE0, v14;
	v15 =	vsel vm7, $0x48801EE0, v15  }
0x62: {  	v16 =	vsel vm7, $0x488020E0, v16;
	v17 =	vsel vm7, $0x488022E0, v17;
	v18 =	vsel vm7, $0x488024E0, v18  }
0x63: {  	v19 =	vsel vm7, $0x488026E0, v19;
	v20 =	vsel vm7, $0x488028E0, v20;
	v21 =	vsel vm7, $0x48802AE0, v21  }
0x64: {  	v22 =	vsel vm7, $0x48802CE0, v22;
	v23 =	vsel vm7, $0x48802EE0, v23;
	v24 =	vsel vm7, $0x488030E0, v24  }
0x65: {  	v25 =	vsel vm7, $0x488032E0, v25;
	v26 =	vsel vm7, $0x488034E0, v26;
	v27 =	vsel vm7, $0x488036E0, v27  }
0x66: {  	v28 =	vsel vm7, $0x488038E0, v28;
	v29 =	vsel vm7, $0x48803AE0, v29;
	v30 =	vsel vm7, $0x48803CE0, v30  }
0x67: {  	v31 =	vsel vm7, $0x48803EE0, v31;
	v0 =	vsel vm8, $0x48800100, v0;
	v1 =	vsel vm8, $0x48800300, v1  }
0x68: {  	v2 =	vsel vm8, $0x48800500, v2;
	v3 =	vsel vm8, $0x48800700, v3;
	v4 =	vsel vm8, $0x48800900, v4  }
0x69: {  	v5 =	vsel vm8, $0x48800B00, v5;
	v6 =	vsel vm8, $0x48800D00, v6;
	v7 =	vsel vm8, $0x48800F00, v7  }
0x6a: {  	v8 =	vsel vm8, $0x48801100, v8;
	v9 =	vsel vm8, $0x48801300, v9;
	v10 =	vsel vm8, $0x48801500, v10  }
0x6b: {  	v11 =	vsel vm8, $0x48801700, v11;
	v12 =	vsel vm8, $0x48801900, v12;
	v13 =	vsel vm8, $0x48801B00, v13  }
0x6c: {  	v14 =	vsel vm8, $0x48801D00, v14;
	v15 =	vsel vm8, $0x48801F00, v15;
	v16 =	vsel vm8, $0x48802100, v16  }
0x6d: {  	v17 =	vsel vm8, $0x48802300, v17;
	v18 =	vsel vm8, $0x48802500, v18;
	v19 =	vsel vm8, $0x48802700, v19  }
0x6e: {  	v20 =	vsel vm8, $0x48802900, v20;
	v21 =	vsel vm8, $0x48802B00, v21;
	v22 =	vsel vm8, $0x48802D00, v22  }
0x6f: {  	v23 =	vsel vm8, $0x48802F00, v23;
	v24 =	vsel vm8, $0x48803100, v24;
	v25 =	vsel vm8, $0x48803300, v25  }
0x70: {  	v26 =	vsel vm8, $0x48803500, v26;
	v27 =	vsel vm8, $0x48803700, v27;
	v28 =	vsel vm8, $0x48803900, v28  }
0x71: {  	v29 =	vsel vm8, $0x48803B00, v29;
	v30 =	vsel vm8, $0x48803D00, v30;
	v31 =	vsel vm8, $0x48803F00, v31  }
0x72: {  	v0 =	vsel vm9, $0x48800120, v0;
	v1 =	vsel vm9, $0x48800320, v1;
	v2 =	vsel vm9, $0x48800520, v2  }
0x73: {  	v3 =	vsel vm9, $0x48800720, v3;
	v4 =	vsel vm9, $0x48800920, v4;
	v5 =	vsel vm9, $0x48800B20, v5  }
0x74: {  	v6 =	vsel vm9, $0x48800D20, v6;
	v7 =	vsel vm9, $0x48800F20, v7;
	v8 =	vsel vm9, $0x48801120, v8  }
0x75: {  	v9 =	vsel vm9, $0x48801320, v9;
	v10 =	vsel vm9, $0x48801520, v10;
	v11 =	vsel vm9, $0x48801720, v11  }
0x76: {  	v12 =	vsel vm9, $0x48801920, v12;
	v13 =	vsel vm9, $0x48801B20, v13;
	v14 =	vsel vm9, $0x48801D20, v14  }
0x77: {  	v15 =	vsel vm9, $0x48801F20, v15;
	v16 =	vsel vm9, $0x48802120, v16;
	v17 =	vsel vm9, $0x48802320, v17  }
0x78: {  	v18 =	vsel vm9, $0x48802520, v18;
	v19 =	vsel vm9, $0x48802720, v19;
	v20 =	vsel vm9, $0x48802920, v20  }
0x79: {  	v21 =	vsel vm9, $0x48802B20, v21;
	v22 =	vsel vm9, $0x48802D20, v22;
	v23 =	vsel vm9, $0x48802F20, v23  }
0x7a: {  	v24 =	vsel vm9, $0x48803120, v24;
	v25 =	vsel vm9, $0x48803320, v25;
	v26 =	vsel vm9, $0x48803520, v26  }
0x7b: {  	v27 =	vsel vm9, $0x48803720, v27;
	v28 =	vsel vm9, $0x48803920, v28;
	v29 =	vsel vm9, $0x48803B20, v29  }
0x7c: {  	v30 =	vsel vm9, $0x48803D20, v30;
	v31 =	vsel vm9, $0x48803F20, v31;
	v0 =	vsel vm10, $0x48800140, v0  }
0x7d: {  	v1 =	vsel vm10, $0x48800340, v1;
	v2 =	vsel vm10, $0x48800540, v2;
	v3 =	vsel vm10, $0x48800740, v3  }
0x7e: {  	v4 =	vsel vm10, $0x48800940, v4;
	v5 =	vsel vm10, $0x48800B40, v5;
	v6 =	vsel vm10, $0x48800D40, v6  }
0x7f: {  	v7 =	vsel vm10, $0x48800F40, v7;
	v8 =	vsel vm10, $0x48801140, v8;
	v9 =	vsel vm10, $0x48801340, v9  }
0x80: {  	v10 =	vsel vm10, $0x48801540, v10;
	v11 =	vsel vm10, $0x48801740, v11;
	v12 =	vsel vm10, $0x48801940, v12  }
0x81: {  	v13 =	vsel vm10, $0x48801B40, v13;
	v14 =	vsel vm10, $0x48801D40, v14;
	v15 =	vsel vm10, $0x48801F40, v15  }
0x82: {  	v16 =	vsel vm10, $0x48802140, v16;
	v17 =	vsel vm10, $0x48802340, v17;
	v18 =	vsel vm10, $0x48802540, v18  }
0x83: {  	v19 =	vsel vm10, $0x48802740, v19;
	v20 =	vsel vm10, $0x48802940, v20;
	v21 =	vsel vm10, $0x48802B40, v21  }
0x84: {  	v22 =	vsel vm10, $0x48802D40, v22;
	v23 =	vsel vm10, $0x48802F40, v23;
	v24 =	vsel vm10, $0x48803140, v24  }
0x85: {  	v25 =	vsel vm10, $0x48803340, v25;
	v26 =	vsel vm10, $0x48803540, v26;
	v27 =	vsel vm10, $0x48803740, v27  }
0x86: {  	v28 =	vsel vm10, $0x48803940, v28;
	v29 =	vsel vm10, $0x48803B40, v29;
	v30 =	vsel vm10, $0x48803D40, v30  }
0x87: {  	v31 =	vsel vm10, $0x48803F40, v31;
	v0 =	vsel vm12, $0x48800160, v0;
	v1 =	vsel vm12, $0x48800360, v1  }
0x88: {  	v2 =	vsel vm12, $0x48800560, v2;
	v3 =	vsel vm12, $0x48800760, v3;
	v4 =	vsel vm12, $0x48800960, v4  }
0x89: {  	v5 =	vsel vm12, $0x48800B60, v5;
	v6 =	vsel vm12, $0x48800D60, v6;
	v7 =	vsel vm12, $0x48800F60, v7  }
0x8a: {  	v8 =	vsel vm12, $0x48801160, v8;
	v9 =	vsel vm12, $0x48801360, v9;
	v10 =	vsel vm12, $0x48801560, v10  }
0x8b: {  	v11 =	vsel vm12, $0x48801760, v11;
	v12 =	vsel vm12, $0x48801960, v12;
	v13 =	vsel vm12, $0x48801B60, v13  }
0x8c: {  	v14 =	vsel vm12, $0x48801D60, v14;
	v15 =	vsel vm12, $0x48801F60, v15;
	v16 =	vsel vm12, $0x48802160, v16  }
0x8d: {  	v17 =	vsel vm12, $0x48802360, v17;
	v18 =	vsel vm12, $0x48802560, v18;
	v19 =	vsel vm12, $0x48802760, v19  }
0x8e: {  	v20 =	vsel vm12, $0x48802960, v20;
	v21 =	vsel vm12, $0x48802B60, v21;
	v22 =	vsel vm12, $0x48802D60, v22  }
0x8f: {  	v23 =	vsel vm12, $0x48802F60, v23;
	v24 =	vsel vm12, $0x48803160, v24;
	v25 =	vsel vm12, $0x48803360, v25  }
0x90: {  	v26 =	vsel vm12, $0x48803560, v26;
	v27 =	vsel vm12, $0x48803760, v27;
	v28 =	vsel vm12, $0x48803960, v28  }
0x91: {  	v29 =	vsel vm12, $0x48803B60, v29;
	v30 =	vsel vm12, $0x48803D60, v30;
	v31 =	vsel vm12, $0x48803F60, v31  }
0x92: {  	v0 =	vsel vm13, $0x48800180, v0;
	v1 =	vsel vm13, $0x48800380, v1;
	v2 =	vsel vm13, $0x48800580, v2  }
0x93: {  	v3 =	vsel vm13, $0x48800780, v3;
	v4 =	vsel vm13, $0x48800980, v4;
	v5 =	vsel vm13, $0x48800B80, v5  }
0x94: {  	v6 =	vsel vm13, $0x48800D80, v6;
	v7 =	vsel vm13, $0x48800F80, v7;
	v8 =	vsel vm13, $0x48801180, v8  }
0x95: {  	v9 =	vsel vm13, $0x48801380, v9;
	v10 =	vsel vm13, $0x48801580, v10;
	v11 =	vsel vm13, $0x48801780, v11  }
0x96: {  	v12 =	vsel vm13, $0x48801980, v12;
	v13 =	vsel vm13, $0x48801B80, v13;
	v14 =	vsel vm13, $0x48801D80, v14  }
0x97: {  	v15 =	vsel vm13, $0x48801F80, v15;
	v16 =	vsel vm13, $0x48802180, v16;
	v17 =	vsel vm13, $0x48802380, v17  }
0x98: {  	v18 =	vsel vm13, $0x48802580, v18;
	v19 =	vsel vm13, $0x48802780, v19;
	v20 =	vsel vm13, $0x48802980, v20  }
0x99: {  	v21 =	vsel vm13, $0x48802B80, v21;
	v22 =	vsel vm13, $0x48802D80, v22;
	v23 =	vsel vm13, $0x48802F80, v23  }
0x9a: {  	v24 =	vsel vm13, $0x48803180, v24;
	v25 =	vsel vm13, $0x48803380, v25;
	v26 =	vsel vm13, $0x48803580, v26  }
0x9b: {  	v27 =	vsel vm13, $0x48803780, v27;
	v28 =	vsel vm13, $0x48803980, v28;
	v29 =	vsel vm13, $0x48803B80, v29  }
0x9c: {  	v30 =	vsel vm13, $0x48803D80, v30;
	v31 =	vsel vm13, $0x48803F80, v31;
	v0 =	vsel vm11, $0x488001A0, v0  }
0x9d: {  	v1 =	vsel vm11, $0x488003A0, v1;
	v2 =	vsel vm11, $0x488005A0, v2;
	v3 =	vsel vm11, $0x488007A0, v3  }
0x9e: {  	v4 =	vsel vm11, $0x488009A0, v4;
	v5 =	vsel vm11, $0x48800BA0, v5;
	v6 =	vsel vm11, $0x48800DA0, v6  }
0x9f: {  	v7 =	vsel vm11, $0x48800FA0, v7;
	v8 =	vsel vm11, $0x488011A0, v8;
	v9 =	vsel vm11, $0x488013A0, v9  }
0xa0: {  	v10 =	vsel vm11, $0x488015A0, v10;
	v11 =	vsel vm11, $0x488017A0, v11;
	v12 =	vsel vm11, $0x488019A0, v12  }
0xa1: {  	v13 =	vsel vm11, $0x48801BA0, v13;
	v14 =	vsel vm11, $0x48801DA0, v14;
	v15 =	vsel vm11, $0x48801FA0, v15  }
0xa2: {  	v16 =	vsel vm11, $0x488021A0, v16;
	v17 =	vsel vm11, $0x488023A0, v17;
	v18 =	vsel vm11, $0x488025A0, v18  }
0xa3: {  	v19 =	vsel vm11, $0x488027A0, v19;
	v20 =	vsel vm11, $0x488029A0, v20;
	v21 =	vsel vm11, $0x48802BA0, v21  }
0xa4: {  	v22 =	vsel vm11, $0x48802DA0, v22;
	v23 =	vsel vm11, $0x48802FA0, v23;
	v24 =	vsel vm11, $0x488031A0, v24  }
0xa5: {  	v25 =	vsel vm11, $0x488033A0, v25;
	v26 =	vsel vm11, $0x488035A0, v26;
	v27 =	vsel vm11, $0x488037A0, v27  }
0xa6: {  	v28 =	vsel vm11, $0x488039A0, v28;
	v29 =	vsel vm11, $0x48803BA0, v29;
	v30 =	vsel vm11, $0x48803DA0, v30  }
0xa7: {  	v31 =	vsel vm11, $0x48803FA0, v31;
	v0 =	vsel vm14, $0x488001C0, v0;
	v1 =	vsel vm14, $0x488003C0, v1  }
0xa8: {  	v2 =	vsel vm14, $0x488005C0, v2;
	v3 =	vsel vm14, $0x488007C0, v3;
	v4 =	vsel vm14, $0x488009C0, v4  }
0xa9: {  	v5 =	vsel vm14, $0x48800BC0, v5;
	v6 =	vsel vm14, $0x48800DC0, v6;
	v7 =	vsel vm14, $0x48800FC0, v7  }
0xaa: {  	v8 =	vsel vm14, $0x488011C0, v8;
	v9 =	vsel vm14, $0x488013C0, v9;
	v10 =	vsel vm14, $0x488015C0, v10  }
0xab: {  	v11 =	vsel vm14, $0x488017C0, v11;
	v12 =	vsel vm14, $0x488019C0, v12;
	v13 =	vsel vm14, $0x48801BC0, v13  }
0xac: {  	v14 =	vsel vm14, $0x48801DC0, v14;
	v15 =	vsel vm14, $0x48801FC0, v15;
	v16 =	vsel vm14, $0x488021C0, v16  }
0xad: {  	v17 =	vsel vm14, $0x488023C0, v17;
	v18 =	vsel vm14, $0x488025C0, v18;
	v19 =	vsel vm14, $0x488027C0, v19  }
0xae: {  	s9 =	ssub.s32 $0x2, s9;
	v20 =	vsel vm14, $0x488029C0, v20;
	v21 =	vsel vm14, $0x48802BC0, v21;
	v22 =	vsel vm14, $0x48802DC0, v22  }
0xaf: {  	s12 =	simm.s32 $0x2;
	s11 =	sshrl.u32 s9, $0x1;
	v23 =	vsel vm14, $0x48802FC0, v23;
	v24 =	vsel vm14, $0x488031C0, v24;
	v25 =	vsel vm14, $0x488033C0, v25  }
0xb0: {  	s14 =	simm.s32 $0x3;
	s15 =	simm.s32 $0x0;
	s11 =	ssub.s32 s9, s11;
	v26 =	vsel vm14, $0x488035C0, v26;
	v27 =	vsel vm14, $0x488037C0, v27;
	v28 =	vsel vm14, $0x488039C0, v28  }
0xb1: {  	s9 =	sor.u32 $0x80, s10;
	s10 =	smax.u32 s11, $0x1;
	s11 =	simm.s32 $0x1;
	v29 =	vsel vm14, $0x48803BC0, v29;
	v30 =	vsel vm14, $0x48803DC0, v30;
	v31 =	vsel vm14, $0x48803FC0, v31  }
.LBB2_1:
0xb2: {  	[tilespmem:s2], [sflag:$0x1] =	stream.linear.gather [hbm4b:s4+s2], $0x8000, $0x38;
	[tilespmem:$0x10080] =	vst v63  }
0xb3: {  	s16 =	simm.s32 $0x0;
	s17 =	simm.s32 $0x0  }
0xb4: {  	v32 =	vimm.f32 $0.0e+00;
	v33 =	vimm.f32 $0.0e+00;
	v34 =	vimm.f32 $0.0e+00;
	[tilespmem:s8], [sflag:$0x2] =	stream.linear.gather [hbm4b:s5+s2], $0x8000, $0x38;
	[tilespmem:$0x10080] =	vst v63  }
.LBB2_2:
0xb5: {  	s20 =	sshll.u32 s17, $0x7;
	p0 =	seq.s32 s17, $0x7  }
0xb6: {  	_ =	swait.ge [sflag:s11], $0x8000;
	s18 =	sadd.s32 @!p0 s20, s9  }
0xb7: {  	s26 =	simm.s32 $0x0;
	[sflag:s11] =	ssyncset.done $0x0;
	s18 =	sshll.u32 @!p0 s18, $0x6  }
0xb8: {  	s19 =	simm.s32 @!p0 $0x0;
	[sflag:s11] =	ssyncadd.s32 $0xFFFF8000;
	s18 =	sadd.s32 @!p0 s1, s18  }
0xb9: {  	[tilespmem:s19], [sflag:$0x1] =	stream.linear.gather @!p0 [hbm4b:s18+s19], $0x8000, $0x38;
	[tilespmem:$0x10080] =	vst v63  }
0xba: {  	s29 =	sand.u32 $0x7000, s26;
	s18 =	sand.u32 $0x380, s26  }
0xbb: {  	s18 =	sor.u32 s18, s29  }
0xbc: {  	v35 =	vld [tilespmem:s18+$0x70]  }
0xbd: {  	v36 =	vld [tilespmem:s18+$0x800]  }
0xbe: {  	v37 =	vld [tilespmem:s18+$0xC50]  }
0xbf: {  	v38 =	vld [tilespmem:s18+$0x400]  }
0xc0: {  	v39 =	vld [tilespmem:s18+$0x850]  }
0xc1: {  	v40 =	vld [tilespmem:s18+$0x450]  }
0xc2: {  	v41 =	vld [tilespmem:s18+$0x50]  }
0xc3: {  	v42 =	vld [tilespmem:s18+$0x840]  }
0xc4: {  	v44 =	vld [tilespmem:s18+$0x40]  }
0xc5: {  	v45 =	vld [tilespmem:s18+$0x430]  }
0xc6: {  	v52 =	vld [tilespmem:s18+$0x30]  }
0xc7: {  	v53 =	vld [tilespmem:s18+$0x20]  }
0xc8: {  	v57 =	vld [tilespmem:s18+$0x860]  }
0xc9: {  	v43 =	vld [tilespmem:s18+$0x440];
	vm2 =	vgt.f32 v35, $-1.386294360e+00;
	vm3 =	vgt.f32 v36, $-1.386294360e+00  }
0xca: {  	v47 =	vld [tilespmem:s18+$0x410];
	vm0 =	vgt.f32 v37, $-1.386294360e+00;
	vm4 =	vgt.f32 v38, $-1.386294360e+00;
	vm1 =	vgt.f32 v40, $-1.386294360e+00  }
0xcb: {  	vm5 =	vgt.f32 v39, $-1.386294360e+00;
	vm6 =	vgt.f32 v41, $-1.386294360e+00;
	vm14 =	vgt.f32 v42, $-1.386294360e+00  }
0xcc: {  	v46 =	vld [tilespmem:s18+$0x10];
	vm7 =	vgt.f32 v44, $-1.386294360e+00;
	vm15 =	vgt.f32 v45, $-1.386294360e+00;
	vm8 =	vgt.f32 v52, $-1.386294360e+00  }
0xcd: {  	v55 =	vld [tilespmem:s18+$0xC40];
	vm9 =	vgt.f32 v53, $-1.386294360e+00;
	vm11 =	vgt.f32 v57, $-1.386294360e+00;
	v54 =	vnsel vm1, $0x0, v13  }
0xce: {  	v61 =	vld [tilespmem:s18+$0x420];
	v60 =	vnsel vm6, $0x0, v5;
	vm1 =	vgt.f32 v43, $-1.386294360e+00;
	v41 =	vnsel vm3, $0x0, v16  }
0xcf: {  	v63 =	vld [tilespmem:s18+$0x60];
	v42 =	vnsel vm4, $0x0, v8;
	vm3 =	vgt.f32 v47, $-1.386294360e+00;
	v62 =	vnsel vm5, $0x0, v21  }
0xd0: {  	v58 =	vld [tilespmem:s18+$0x470];
	v35 =	vnsel vm2, $0x0, v7;
	v56 =	vnsel vm8, $0x0, v3;
	v48 =	vnsel vm15, $0x0, v11  }
0xd1: {  	v39 =	vld [tilespmem:s18+$0x830];
	v49 =	vnsel vm14, $0x0, v20;
	vm2 =	vgt.f32 v46, $-1.386294360e+00;
	v36 =	vnsel vm7, $0x0, v4  }
0xd2: {  	s30 =	simm.s32 $0x200;
	s21 =	simm.s32 $0x80;
	v45 =	vld [tilespmem:s18+$0x870];
	v52 =	vnsel vm9, $0x0, v2;
	v37 =	vadd.f32 v54, v60;
	v51 =	vnsel vm3, $0x0, v9  }
0xd3: {  	s21 =	sand.u32 $0x380, s21;
	s19 =	sand.u32 $0x7000, s30;
	v43 =	vld [tilespmem:s18+$0x820];
	vm3 =	vgt.f32 v61, $-1.386294360e+00;
	v40 =	vadd.f32 v48, v56;
	v61 =	vnsel vm2, $0x0, v1  }
0xd4: {  	s23 =	sor.u32 s21, s19;
	v38 =	vld [tilespmem:s18+$0xC30];
	vm2 =	vgt.f32 v63, $-1.386294360e+00;
	v53 =	vnsel vm1, $0x0, v12;
	v59 =	vnsel vm3, $0x0, v10  }
0xd5: {  	v47 =	vld [tilespmem:s23+$0x800];
	vm3 =	vgt.f32 v55, $-1.386294360e+00;
	v44 =	vadd.f32 v51, v61;
	v36 =	vadd.f32 v53, v36  }
0xd6: {  	v60 =	vld [tilespmem:s18+$0x0];
	v61 =	vnsel vm0, $0x0, v29;
	v37 =	vadd.f32 v62, v37;
	v48 =	vadd.f32 v59, v52  }
0xd7: {  	v50 =	vld [tilespmem:s18+$0x460];
	v63 =	vnsel vm3, $0x0, v28;
	v36 =	vadd.f32 v49, v36;
	v49 =	vnsel vm11, $0x0, v22  }
0xd8: {  	v62 =	vld [tilespmem:s18+$0x810];
	vm0 =	vgt.f32 v45, $-1.386294360e+00;
	vm10 =	vgt.f32 v43, $-1.386294360e+00;
	v43 =	vnsel vm2, $0x0, v6  }
0xd9: {  	v57 =	vld [tilespmem:s23+$0xC50];
	vm2 =	vgt.f32 v39, $-1.386294360e+00;
	v37 =	vadd.f32 v61, v37;
	v46 =	vnsel vm0, $0x0, v23  }
0xda: {  	v54 =	vld [tilespmem:s18+$0xC20];
	vm0 =	vgt.f32 v38, $-1.386294360e+00;
	vm13 =	vgt.f32 v47, $-1.386294360e+00;
	v52 =	vnsel vm10, $0x0, v18  }
0xdb: {  	v39 =	vld [tilespmem:s18+$0xC00];
	v55 =	vnsel vm2, $0x0, v19;
	vm1 =	vgt.f32 v60, $-1.386294360e+00;
	vm2 =	vgt.f32 v58, $-1.386294360e+00  }
0xdc: {  	v60 =	vld [tilespmem:s18+$0xC10];
	v36 =	vadd.f32 v63, v36;
	v53 =	vnsel vm0, $0x0, v27;
	v59 =	vnsel vm1, $0x0, v0  }
0xdd: {  	v58 =	vld [tilespmem:s23+$0x400];
	vm1 =	vgt.f32 v50, $-1.386294360e+00;
	v40 =	vadd.f32 v55, v40;
	vm3 =	vgt.f32 v62, $-1.386294360e+00  }
0xde: {  	v50 =	vld [tilespmem:s18+$0xC60];
	v42 =	vadd.f32 v42, v59;
	v56 =	vnsel vm1, $0x0, v14;
	v36 =	vadd.f32 v37, v36  }
0xdf: {  	v55 =	vld [tilespmem:s23+$0x30];
	v37 =	vnsel vm13, $0x0, v16;
	v63 =	vnsel vm3, $0x0, v17;
	v43 =	vadd.f32 v56, v43  }
0xe0: {  	v62 =	vld [tilespmem:s18+$0xC70];
	v41 =	vadd.f32 v41, v42;
	v38 =	vadd.f32 v63, v44;
	vm3 =	vgt.f32 v39, $-1.386294360e+00  }
0xe1: {  	v45 =	vld [tilespmem:s23+$0x70];
	v42 =	vadd.f32 v52, v48;
	vm12 =	vgt.f32 v60, $-1.386294360e+00;
	v59 =	vnsel vm3, $0x0, v24  }
0xe2: {  	v48 =	vld [tilespmem:s23+$0x450];
	vm3 =	vgt.f32 v54, $-1.386294360e+00;
	v43 =	vadd.f32 v49, v43;
	vm14 =	vgt.f32 v58, $-1.386294360e+00  }
0xe3: {  	v63 =	vld [tilespmem:s23+$0x50];
	v58 =	vadd.f32 v53, v40;
	vm1 =	vgt.f32 v50, $-1.386294360e+00;
	v41 =	vadd.f32 v59, v41  }
0xe4: {  	v60 =	vld [tilespmem:s23+$0x850];
	v61 =	vnsel vm12, $0x0, v25;
	v59 =	vnsel vm2, $0x0, v15;
	vm12 =	vgt.f32 v55, $-1.386294360e+00  }
0xe5: {  	v56 =	vld [tilespmem:s23+$0x440];
	v50 =	vnsel vm1, $0x0, v30;
	vm1 =	vgt.f32 v62, $-1.386294360e+00;
	v62 =	vnsel vm3, $0x0, v26  }
0xe6: {  	v53 =	vld [tilespmem:s23+$0x410];
	vm3 =	vgt.f32 v45, $-1.386294360e+00;
	v35 =	vadd.f32 v59, v35;
	v38 =	vadd.f32 v61, v38  }
0xe7: {  	v59 =	vnsel vm12, $0x0, v3;
	v52 =	vnsel vm1, $0x0, v31;
	vm1 =	vgt.f32 v57, $-1.386294360e+00;
	v57 =	vld [tilespmem:s23+$0x40]  }
0xe8: {  	v42 =	vadd.f32 v62, v42;
	v62 =	vld [tilespmem:s23+$0x840];
	v43 =	vadd.f32 v50, v43;
	vm0 =	vgt.f32 v48, $-1.386294360e+00  }
0xe9: {  	vm2 =	vgt.f32 v63, $-1.386294360e+00;
	v35 =	vadd.f32 v46, v35;
	vm15 =	vgt.f32 v60, $-1.386294360e+00;
	v60 =	vld [tilespmem:s23+$0x430]  }
0xea: {  	v63 =	vnsel vm0, $0x0, v13;
	v54 =	vnsel vm2, $0x0, v5;
	vm0 =	vgt.f32 v56, $-1.386294360e+00;
	v56 =	vld [tilespmem:s23+$0x10]  }
0xeb: {  	v50 =	vnsel vm14, $0x0, v8;
	v38 =	vadd.f32 v38, v41;
	v40 =	vadd.f32 v63, v54;
	v63 =	vld [tilespmem:s23+$0xC40]  }
0xec: {  	v39 =	vadd.f32 v58, v42;
	v61 =	vadd.f32 v52, v35;
	vm9 =	vgt.f32 v57, $-1.386294360e+00;
	v57 =	vld [tilespmem:s23+$0x20]  }
0xed: {  	vm10 =	vgt.f32 v53, $-1.386294360e+00;
	v58 =	vnsel vm15, $0x0, v21;
	vm2 =	vgt.f32 v62, $-1.386294360e+00;
	v62 =	vld [tilespmem:s23+$0x420]  }
0xee: {  	v45 =	vld [tilespmem:s23+$0x60];
	v35 =	vnsel vm3, $0x0, v7;
	v47 =	vadd.f32 v39, v38;
	v43 =	vadd.f32 v61, v43  }
0xef: {  	v51 =	vld [tilespmem:s23+$0x830];
	v61 =	vnsel vm10, $0x0, v9;
	v53 =	vnsel vm2, $0x0, v20;
	vm11 =	vgt.f32 v60, $-1.386294360e+00  }
0xf0: {  	v44 =	vld [tilespmem:s23+$0x820];
	v48 =	vnsel vm9, $0x0, v4;
	v36 =	vadd.f32 v43, v36;
	v60 =	vnsel vm11, $0x0, v11  }
0xf1: {  	vm2 =	vgt.f32 v56, $-1.386294360e+00;
	vm14 =	vgt.f32 v63, $-1.386294360e+00;
	v63 =	vld [tilespmem:s23+$0x0];
	v38 =	vadd.f32 v60, v59  }
0xf2: {  	v36 =	vadd.f32 v36, v47;
	vm3 =	vgt.f32 v57, $-1.386294360e+00;
	vm13 =	vgt.f32 v62, $-1.386294360e+00;
	v62 =	vld [tilespmem:s23+$0x860]  }
0xf3: {  	v52 =	vld [tilespmem:s23+$0x470];
	v57 =	vadd.f32 v58, v40;
	v58 =	vnsel vm2, $0x0, v1;
	vm2 =	vgt.f32 v45, $-1.386294360e+00  }
0xf4: {  	v60 =	vld [tilespmem:s23+$0x460];
	v49 =	vnsel vm13, $0x0, v10;
	v59 =	vnsel vm3, $0x0, v2;
	v41 =	vadd.f32 v61, v58  }
0xf5: {  	v54 =	vld [tilespmem:s23+$0xC70];
	vm3 =	vgt.f32 v44, $-1.386294360e+00;
	v40 =	vnsel vm2, $0x0, v6;
	vm2 =	vgt.f32 v51, $-1.386294360e+00  }
0xf6: {  	v61 =	vld [tilespmem:s23+$0x810];
	v58 =	vnsel vm14, $0x0, v28;
	v44 =	vnsel vm3, $0x0, v18;
	v39 =	vnsel vm2, $0x0, v19  }
0xf7: {  	v43 =	vld [tilespmem:s23+$0xC20];
	vm2 =	vgt.f32 v63, $-1.386294360e+00;
	vm3 =	vgt.f32 v62, $-1.386294360e+00;
	v62 =	vnsel vm0, $0x0, v12  }
0xf8: {  	v45 =	vld [tilespmem:s23+$0xC00];
	v42 =	vadd.f32 v49, v59;
	v63 =	vnsel vm2, $0x0, v0;
	v46 =	vadd.f32 v62, v48  }
0xf9: {  	s31 =	sshll.u32 s16, $0x7;
	v49 =	vld [tilespmem:s23+$0x870];
	vm15 =	vgt.f32 v60, $-1.386294360e+00;
	v60 =	vnsel vm1, $0x0, v29;
	vm0 =	vgt.f32 v52, $-1.386294360e+00  }
0xfa: {  	s28 =	simm.s32 $0x400;
	s21 =	sand.u32 $0x180, s31;
	v51 =	vld [tilespmem:s23+$0xC30];
	v56 =	vadd.f32 v50, v63;
	v48 =	vmul.f32 $3.814697270e-06, v36;
	v59 =	vadd.f32 v53, v46  }
0xfb: {  	s19 =	sshll.u32 s17, $0x1;
	s17 =	sadd.s32 $0x1, s17;
	s22 =	sadd.s32 $0x1, s21;
	v52 =	vld [tilespmem:s23+$0xC60];
	v55 =	vnsel vm15, $0x0, v14;
	vm2 =	vgt.f32 v61, $-1.386294360e+00;
	v46 =	vnsel vm3, $0x0, v22  }
0xfc: {  	s24 =	sadd.s32 $0x1, s22;
	s18 =	sor.u32 $0x40, s21;
	v53 =	vld [tilespmem:s23+$0xC10];
	v50 =	vtrunc.f32 v48;
	v48 =	vadd.f32 v60, v57;
	s23 =	simm.s32 $0x100;
	v47 =	vadd.f32 v58, v59  }
.LBB2_3:
0xfd: {  	s25 =	smov.u32 s28  }
0xfe: {  	s26 =	sand.u32 $0x7000, s28;
	s29 =	sand.u32 $0x380, s23;
	v37 =	vadd.f32 v37, v56;
	vm1 =	vgt.f32 v49, $-1.386294360e+00;
	v49 =	vcvt.f32.s32 v50;
	s25 =	sadd.s32 $0x200, s28  }
0xff: {  	p1 =	sne.s32 s28, $0x7E00;
	v50 =	vnsel vm2, $0x0, v17;
	s26 =	sor.u32 s29, s26;
	v56 =	vnsel vm1, $0x0, v23;
	vm1 =	vgt.f32 v51, $-1.386294360e+00  }
0x100: {  	v42 =	vadd.f32 v44, v42;
	v41 =	vadd.f32 v50, v41;
	vm2 =	vgt.f32 v52, $-1.386294360e+00;
	v51 =	vld [tilespmem:s26+$0x70]  }
0x101: {  	v40 =	vadd.f32 v55, v40;
	vm3 =	vgt.f32 v45, $-1.386294360e+00;
	vm4 =	vgt.f32 v53, $-1.386294360e+00;
	v44 =	vld [tilespmem:s26+$0x800]  }
0x102: {  	v50 =	vnsel vm3, $0x0, v24;
	v52 =	vnsel vm2, $0x0, v30;
	vm2 =	vgt.f32 v54, $-1.386294360e+00;
	v45 =	vld [tilespmem:s26+$0xC50]  }
0x103: {  	vm3 =	vgt.f32 v43, $-1.386294360e+00;
	v37 =	vadd.f32 v50, v37;
	v43 =	vnsel vm2, $0x0, v31;
	v53 =	vld [tilespmem:s26+$0x400]  }
0x104: {  	v38 =	vadd.f32 v39, v38;
	v39 =	vnsel vm4, $0x0, v25;
	v54 =	vnsel vm3, $0x0, v26;
	v50 =	vld [tilespmem:s26+$0x850]  }
0x105: {  	v49 =	vcvt.s32.f32 v49;
	v42 =	vadd.f32 v54, v42;
	vm2 =	vgt.f32 v51, $-1.386294360e+00;
	v51 =	vld [tilespmem:s26+$0x450]  }
0x106: {  	v40 =	vadd.f32 v46, v40;
	v54 =	vld [tilespmem:s26+$0x50];
	vm3 =	vgt.f32 v44, $-1.386294360e+00;
	v44 =	vnsel vm1, $0x0, v27  }
0x107: {  	s28 =	scvt.s32.f32 s21;
	s21 =	smov.u32 s22;
	s22 =	smov.u32 s24;
	v46 =	vld [tilespmem:s26+$0x840];
	vm1 =	vgt.f32 v45, $-1.386294360e+00;
	v45 =	vadd.f32 v48, v47;
	v47 =	vmul.f32 $-2.621440000e+05, v49  }
0x108: {  	v34 =	vadd.f32 v49, v34;
	v38 =	vadd.f32 v44, v38;
	vm5 =	vgt.f32 v53, $-1.386294360e+00;
	v48 =	vld [tilespmem:s26+$0x440]  }
0x109: {  	v49 =	vmul.f32 s28, v49;
	v44 =	vld [tilespmem:s26+$0x40];
	vm4 =	vgt.f32 v50, $-1.386294360e+00;
	v50 =	vnsel vm0, $0x0, v15  }
0x10a: {  	v36 =	vadd.f32 v47, v36;
	v53 =	vld [tilespmem:s26+$0x430];
	vm0 =	vgt.f32 v51, $-1.386294360e+00;
	v35 =	vadd.f32 v50, v35  }
0x10b: {  	v38 =	vadd.f32 v38, v42;
	v47 =	vld [tilespmem:s26+$0x10];
	vm6 =	vgt.f32 v54, $-1.386294360e+00;
	v50 =	vnsel vm0, $0x0, v13  }
0x10c: {  	v39 =	vadd.f32 v39, v41;
	v42 =	vnsel vm6, $0x0, v5;
	v51 =	vld [tilespmem:s26+$0x410];
	v35 =	vadd.f32 v56, v35  }
0x10d: {  	v33 =	vadd.f32 v36, v33;
	vm6 =	vgt.f32 v46, $-1.386294360e+00;
	v41 =	vld [tilespmem:s26+$0x30];
	vm0 =	vgt.f32 v48, $-1.386294360e+00  }
0x10e: {  	v36 =	vld [tilespmem:s26+$0x20];
	vm7 =	vgt.f32 v44, $-1.386294360e+00;
	v43 =	vadd.f32 v43, v35;
	v35 =	vadd.f32 v39, v37  }
0x10f: {  	v40 =	vadd.f32 v52, v40;
	v32 =	vadd.f32 v49, v32;
	v37 =	vnsel vm3, $0x0, v16;
	v39 =	vld [tilespmem:s26+$0xC40]  }
0x110: {  	v48 =	vnsel vm5, $0x0, v8;
	v42 =	vadd.f32 v50, v42;
	v44 =	vld [tilespmem:s26+$0x420];
	v46 =	vadd.f32 v38, v35  }
0x111: {  	v50 =	vnsel vm4, $0x0, v21;
	vm5 =	vgt.f32 v53, $-1.386294360e+00;
	vm3 =	vgt.f32 v51, $-1.386294360e+00;
	v49 =	vld [tilespmem:s26+$0x820]  }
0x112: {  	v35 =	vnsel vm2, $0x0, v7;
	v40 =	vadd.f32 v43, v40;
	vm4 =	vgt.f32 v41, $-1.386294360e+00;
	v51 =	vld [tilespmem:s26+$0x830]  }
0x113: {  	v53 =	vnsel vm6, $0x0, v20;
	v43 =	vnsel vm5, $0x0, v11;
	v38 =	vnsel vm4, $0x0, v3;
	v41 =	vld [tilespmem:s26+$0x60]  }
0x114: {  	vm2 =	vgt.f32 v47, $-1.386294360e+00;
	v47 =	vnsel vm7, $0x0, v4;
	vm4 =	vgt.f32 v36, $-1.386294360e+00;
	v52 =	vld [tilespmem:s26+$0x460]  }
0x115: {  	v36 =	vnsel vm3, $0x0, v9;
	v38 =	vadd.f32 v43, v38;
	vm3 =	vgt.f32 v44, $-1.386294360e+00;
	v43 =	vld [tilespmem:s26+$0x860]  }
0x116: {  	v57 =	vadd.f32 v50, v42;
	v44 =	vnsel vm3, $0x0, v10;
	v54 =	vld [tilespmem:s26+$0x470];
	vm3 =	vgt.f32 v39, $-1.386294360e+00  }
0x117: {  	v55 =	vadd.f32 v40, v45;
	v42 =	vnsel vm4, $0x0, v2;
	v39 =	vnsel vm2, $0x0, v1;
	v50 =	vld [tilespmem:s26+$0x0]  }
0x118: {  	vm4 =	vgt.f32 v49, $-1.386294360e+00;
	vm2 =	vgt.f32 v41, $-1.386294360e+00;
	v41 =	vadd.f32 v36, v39;
	v49 =	vld [tilespmem:s26+$0x870]  }
0x119: {  	v42 =	vadd.f32 v44, v42;
	v44 =	vnsel vm4, $0x0, v18;
	v40 =	vnsel vm2, $0x0, v6;
	v56 =	vld [tilespmem:s26+$0x810]  }
0x11a: {  	v58 =	vnsel vm3, $0x0, v28;
	vm2 =	vgt.f32 v51, $-1.386294360e+00;
	vm4 =	vgt.f32 v43, $-1.386294360e+00;
	v45 =	vld [tilespmem:s26+$0xC00]  }
0x11b: {  	v36 =	vadd.f32 v55, v46;
	v51 =	vnsel vm0, $0x0, v12;
	v39 =	vnsel vm2, $0x0, v19;
	v43 =	vld [tilespmem:s26+$0xC20]  }
.Ltmp0:
0x11c: {  	v46 =	vadd.f32 v51, v47;
	vm0 =	vgt.f32 v54, $-1.386294360e+00;
	vm2 =	vgt.f32 v50, $-1.386294360e+00;
	v51 =	vld [tilespmem:s26+$0xC30];
	(pc) =	sbr.rel @p1 .LBB2_3-.Ltmp0, $4  }
0x11d: {  	vm3 =	vgt.f32 v52, $-1.386294360e+00;
	v50 =	vmul.f32 $3.814697270e-06, v36;
	v47 =	vnsel vm2, $0x0, v0;
	v52 =	vld [tilespmem:s26+$0xC60]  }
0x11e: {  	v59 =	vadd.f32 v53, v46;
	v46 =	vnsel vm4, $0x0, v22;
	vm2 =	vgt.f32 v56, $-1.386294360e+00;
	v53 =	vld [tilespmem:s26+$0xC10]  }
0x11f: {  	v56 =	vadd.f32 v48, v47;
	v48 =	vnsel vm1, $0x0, v29;
	v50 =	vtrunc.f32 v50;
	v54 =	vld [tilespmem:s26+$0xC70]  }
0x120: {  	s23 =	sadd.s32 $0x80, s23;
	s24 =	sadd.s32 $0x1, s24;
	s28 =	smov.u32 s25;
	v55 =	vnsel vm3, $0x0, v14;
	v47 =	vadd.f32 v58, v59;
	v48 =	vadd.f32 v48, v57  }
0x121: {  	_ =	swait.ge [sflag:s12], $0x8000;
	s20 =	sadd.s32 @!p0 s20, s6;
	s23 =	simm.s32 @!p0 $0x0  }
0x122: {  	vm1 =	vgt.f32 v49, $-1.386294360e+00;
	s24 =	simm.s32 @!p0 $0x8000;
	[sflag:s12] =	ssyncset.done $0x0;
	s20 =	sshll.u32 @!p0 s20, $0x6  }
0x123: {  	v37 =	vadd.f32 v37, v56;
	v62 =	vnsel vm2, $0x0, v17;
	v42 =	vadd.f32 v44, v42;
	s26 =	simm.s32 $0x0;
	[sflag:s12] =	ssyncadd.s32 $0xFFFF8000;
	s20 =	sadd.s32 @!p0 s1, s20  }
0x124: {  	v40 =	vadd.f32 v55, v40;
	vm3 =	vgt.f32 v45, $-1.386294360e+00;
	v59 =	vnsel vm0, $0x0, v15;
	[tilespmem:s24], [sflag:$0x2] =	stream.linear.gather @!p0 [hbm4b:s20+s23], $0x8000, $0x38;
	[tilespmem:$0x10080] =	vst v63  }
0x125: {  	v38 =	vadd.f32 v39, v38;
	v41 =	vadd.f32 v62, v41;
	s28 =	sand.u32 $0x7000, s26;
	vm4 =	vgt.f32 v53, $-1.386294360e+00;
	s20 =	sand.u32 $0x380, s26  }
0x126: {  	v63 =	vnsel vm1, $0x0, v23;
	vm1 =	vgt.f32 v51, $-1.386294360e+00;
	v61 =	vnsel vm4, $0x0, v25;
	s20 =	sor.u32 s20, s28  }
0x127: {  	vm2 =	vgt.f32 v52, $-1.386294360e+00;
	v57 =	vnsel vm3, $0x0, v24;
	v39 =	vadd.f32 v61, v41;
	v41 =	vld [tilespmem:s20+$0x8C50]  }
0x128: {  	vm3 =	vgt.f32 v43, $-1.386294360e+00;
	v35 =	vadd.f32 v59, v35;
	v58 =	vnsel vm2, $0x0, v30;
	v53 =	vld [tilespmem:s20+$0x8400]  }
0x129: {  	v37 =	vadd.f32 v57, v37;
	v60 =	vnsel vm3, $0x0, v26;
	v40 =	vadd.f32 v46, v40;
	v43 =	vld [tilespmem:s20+$0x8850]  }
0x12a: {  	v62 =	vnsel vm1, $0x0, v27;
	vm2 =	vgt.f32 v54, $-1.386294360e+00;
	v35 =	vadd.f32 v63, v35;
	v54 =	vld [tilespmem:s20+$0x8450]  }
0x12b: {  	v42 =	vadd.f32 v60, v42;
	v38 =	vadd.f32 v62, v38;
	v63 =	vnsel vm2, $0x0, v31;
	v56 =	vld [tilespmem:s20+$0x8050]  }
0x12c: {  	v52 =	vcvt.f32.s32 v50;
	v40 =	vadd.f32 v58, v40;
	v35 =	vadd.f32 v63, v35;
	v57 =	vld [tilespmem:s20+$0x8840]  }
0x12d: {  	v49 =	vadd.f32 v48, v47;
	v38 =	vadd.f32 v38, v42;
	v60 =	vld [tilespmem:s20+$0x8040]  }
0x12e: {  	v61 =	vld [tilespmem:s20+$0x8430];
	v37 =	vadd.f32 v39, v37;
	v35 =	vadd.f32 v35, v40;
	v40 =	vcvt.s32.f32 v52  }
0x12f: {  	s21 =	scvt.s32.f32 s21;
	v46 =	vld [tilespmem:s20+$0x8820]  }
0x130: {  	v59 =	vld [tilespmem:s20+$0x8440];
	v37 =	vadd.f32 v38, v37;
	v35 =	vadd.f32 v35, v49;
	v55 =	vmul.f32 $-2.621440000e+05, v40  }
0x131: {  	v39 =	vld [tilespmem:s20+$0x8800];
	v34 =	vadd.f32 v40, v34;
	v40 =	vmul.f32 s21, v40;
	vm0 =	vgt.f32 v41, $-1.386294360e+00  }
0x132: {  	vm13 =	vgt.f32 v53, $-1.386294360e+00;
	vm1 =	vgt.f32 v54, $-1.386294360e+00;
	vm5 =	vgt.f32 v43, $-1.386294360e+00  }
0x133: {  	v63 =	vld [tilespmem:s20+$0x8010];
	vm6 =	vgt.f32 v56, $-1.386294360e+00;
	vm14 =	vgt.f32 v57, $-1.386294360e+00;
	v35 =	vadd.f32 v35, v37  }
0x134: {  	s30 =	simm.s32 $0x80;
	s31 =	simm.s32 $0x200;
	v52 =	vld [tilespmem:s20+$0x8030];
	vm7 =	vgt.f32 v60, $-1.386294360e+00;
	vm15 =	vgt.f32 v61, $-1.386294360e+00;
	vm10 =	vgt.f32 v46, $-1.386294360e+00  }
0x135: {  	s29 =	scvt.s32.f32 s22;
	s22 =	sand.u32 $0x7000, s31;
	s21 =	sand.u32 $0x380, s30;
	v37 =	vld [tilespmem:s20+$0x8070];
	v36 =	vadd.f32 v55, v36;
	v32 =	vadd.f32 v40, v32;
	v51 =	vmul.f32 $3.814697270e-06, v35  }
0x136: {  	v53 =	vld [tilespmem:s20+$0x8020];
	s21 =	sor.u32 s21, s22;
	vm3 =	vgt.f32 v39, $-1.386294360e+00;
	v54 =	vnsel vm1, $0x0, v13;
	vm1 =	vgt.f32 v59, $-1.386294360e+00  }
0x137: {  	v44 =	vnsel vm13, $0x0, v8;
	v60 =	vnsel vm5, $0x0, v21;
	v47 =	vld [tilespmem:s21+$0x8800];
	v38 =	vtrunc.f32 v51  }
0x138: {  	v49 =	vnsel vm14, $0x0, v20;
	v43 =	vnsel vm3, $0x0, v16;
	v51 =	vld [tilespmem:s20+$0x8410];
	v38 =	vcvt.f32.s32 v38  }
0x139: {  	v59 =	vld [tilespmem:s20+$0x8420];
	vm8 =	vgt.f32 v52, $-1.386294360e+00;
	v52 =	vnsel vm10, $0x0, v18;
	v33 =	vadd.f32 v36, v33  }
0x13a: {  	v61 =	vnsel vm8, $0x0, v3;
	vm2 =	vgt.f32 v37, $-1.386294360e+00;
	v38 =	vcvt.s32.f32 v38  }
0x13b: {  	vm9 =	vgt.f32 v53, $-1.386294360e+00;
	v37 =	vnsel vm2, $0x0, v7;
	vm2 =	vgt.f32 v63, $-1.386294360e+00;
	v63 =	vld [tilespmem:s20+$0x8860]  }
0x13c: {  	v55 =	vld [tilespmem:s20+$0x8C40];
	vm13 =	vgt.f32 v47, $-1.386294360e+00;
	v58 =	vmul.f32 $-2.621440000e+05, v38;
	v62 =	vmul.f32 s29, v38  }
0x13d: {  	v50 =	vld [tilespmem:s20+$0x8460];
	v34 =	vadd.f32 v38, v34;
	vm3 =	vgt.f32 v51, $-1.386294360e+00;
	v38 =	vnsel vm7, $0x0, v4  }
0x13e: {  	v41 =	vld [tilespmem:s20+$0x8060];
	v56 =	vnsel vm3, $0x0, v9;
	vm3 =	vgt.f32 v59, $-1.386294360e+00;
	v35 =	vadd.f32 v58, v35  }
0x13f: {  	v51 =	vld [tilespmem:s20+$0x8C10];
	v32 =	vadd.f32 v62, v32;
	v58 =	vnsel vm6, $0x0, v5;
	v62 =	vnsel vm15, $0x0, v11  }
0x140: {  	v59 =	vld [tilespmem:s20+$0x8000];
	vm11 =	vgt.f32 v63, $-1.386294360e+00;
	v39 =	vadd.f32 v54, v58;
	v42 =	vadd.f32 v62, v61  }
0x141: {  	v57 =	vld [tilespmem:s20+$0x8470];
	v58 =	vnsel vm3, $0x0, v10;
	vm3 =	vgt.f32 v55, $-1.386294360e+00;
	v61 =	vnsel vm9, $0x0, v2  }
0x142: {  	v62 =	vld [tilespmem:s20+$0x8810];
	v33 =	vadd.f32 v35, v33;
	v48 =	vadd.f32 v58, v61;
	v63 =	vnsel vm3, $0x0, v28  }
0x143: {  	v54 =	vld [tilespmem:s20+$0x8C20];
	v58 =	vnsel vm1, $0x0, v12;
	v36 =	vadd.f32 v60, v39;
	v60 =	vnsel vm2, $0x0, v1  }
0x144: {  	v35 =	vld [tilespmem:s20+$0x8830];
	vm2 =	vgt.f32 v41, $-1.386294360e+00;
	v38 =	vadd.f32 v58, v38;
	vm12 =	vgt.f32 v51, $-1.386294360e+00  }
0x145: {  	v41 =	vld [tilespmem:s20+$0x8870];
	v40 =	vadd.f32 v56, v60;
	v46 =	vnsel vm2, $0x0, v6;
	vm1 =	vgt.f32 v59, $-1.386294360e+00  }
0x146: {  	v61 =	vld [tilespmem:s20+$0x8C70];
	v60 =	vnsel vm0, $0x0, v29;
	v59 =	vnsel vm1, $0x0, v0;
	vm1 =	vgt.f32 v50, $-1.386294360e+00  }
0x147: {  	v39 =	vld [tilespmem:s20+$0x8C30];
	v38 =	vadd.f32 v49, v38;
	v49 =	vnsel vm11, $0x0, v22;
	v36 =	vadd.f32 v60, v36  }
0x148: {  	v50 =	vld [tilespmem:s20+$0x8C60];
	vm3 =	vgt.f32 v62, $-1.386294360e+00;
	v44 =	vadd.f32 v44, v59;
	v62 =	vnsel vm1, $0x0, v14  }
0x149: {  	v60 =	vld [tilespmem:s21+$0x8450];
	vm2 =	vgt.f32 v35, $-1.386294360e+00;
	v38 =	vadd.f32 v63, v38;
	v63 =	vnsel vm3, $0x0, v17  }
0x14a: {  	v59 =	vld [tilespmem:s21+$0x8850];
	v46 =	vadd.f32 v62, v46;
	v55 =	vnsel vm2, $0x0, v19;
	vm0 =	vgt.f32 v41, $-1.386294360e+00  }
0x14b: {  	v35 =	vld [tilespmem:s20+$0x8C00];
	vm2 =	vgt.f32 v57, $-1.386294360e+00;
	v43 =	vadd.f32 v43, v44;
	v45 =	vnsel vm0, $0x0, v23  }
0x14c: {  	v62 =	vld [tilespmem:s21+$0x8050];
	vm0 =	vgt.f32 v39, $-1.386294360e+00;
	v39 =	vadd.f32 v63, v40;
	v40 =	vadd.f32 v52, v48  }
0x14d: {  	v44 =	vld [tilespmem:s21+$0x8C50];
	v42 =	vadd.f32 v55, v42;
	v63 =	vnsel vm12, $0x0, v25;
	v46 =	vadd.f32 v49, v46  }
0x14e: {  	v57 =	vld [tilespmem:s21+$0x8400];
	v36 =	vadd.f32 v36, v38;
	vm1 =	vgt.f32 v50, $-1.386294360e+00;
	v53 =	vnsel vm0, $0x0, v27  }
0x14f: {  	v41 =	vld [tilespmem:s21+$0x8070];
	vm0 =	vgt.f32 v60, $-1.386294360e+00;
	v50 =	vnsel vm1, $0x0, v30;
	vm1 =	vgt.f32 v61, $-1.386294360e+00  }
0x150: {  	v56 =	vld [tilespmem:s21+$0x8440];
	vm15 =	vgt.f32 v59, $-1.386294360e+00;
	v59 =	vnsel vm2, $0x0, v15;
	v39 =	vadd.f32 v63, v39  }
0x151: {  	v60 =	vld [tilespmem:s21+$0x8410];
	vm3 =	vgt.f32 v35, $-1.386294360e+00;
	v52 =	vnsel vm1, $0x0, v31;
	v37 =	vadd.f32 v59, v37  }
0x152: {  	v51 =	vld [tilespmem:s21+$0x8470];
	vm2 =	vgt.f32 v62, $-1.386294360e+00;
	v58 =	vnsel vm3, $0x0, v24;
	vm3 =	vgt.f32 v54, $-1.386294360e+00  }
0x153: {  	v62 =	vld [tilespmem:s21+$0x8030];
	vm1 =	vgt.f32 v44, $-1.386294360e+00;
	vm14 =	vgt.f32 v57, $-1.386294360e+00;
	v43 =	vadd.f32 v58, v43  }
0x154: {  	v57 =	vld [tilespmem:s21+$0x8040];
	v61 =	vnsel vm3, $0x0, v26;
	vm3 =	vgt.f32 v41, $-1.386294360e+00;
	v58 =	vadd.f32 v53, v42  }
0x155: {  	v59 =	vld [tilespmem:s21+$0x8420];
	v42 =	vnsel vm0, $0x0, v13;
	v37 =	vadd.f32 v45, v37;
	vm0 =	vgt.f32 v56, $-1.386294360e+00  }
0x156: {  	v44 =	vld [tilespmem:s21+$0x8430];
	v40 =	vadd.f32 v61, v40;
	v61 =	vnsel vm2, $0x0, v5;
	vm10 =	vgt.f32 v60, $-1.386294360e+00  }
0x157: {  	v41 =	vld [tilespmem:s21+$0x8840];
	v60 =	vnsel vm15, $0x0, v21;
	v35 =	vnsel vm3, $0x0, v7;
	v49 =	vadd.f32 v39, v43  }
0x158: {  	v56 =	vld [tilespmem:s21+$0x8020];
	v42 =	vadd.f32 v42, v61;
	v39 =	vnsel vm10, $0x0, v9;
	v38 =	vadd.f32 v58, v40  }
0x159: {  	v58 =	vadd.f32 v50, v46;
	vm12 =	vgt.f32 v62, $-1.386294360e+00;
	vm9 =	vgt.f32 v57, $-1.386294360e+00  }
0x15a: {  	v63 =	vld [tilespmem:s21+$0x8010];
	v57 =	vadd.f32 v52, v37;
	v37 =	vnsel vm13, $0x0, v16;
	v52 =	vnsel vm14, $0x0, v8  }
0x15b: {  	v54 =	vld [tilespmem:s21+$0x8000];
	vm11 =	vgt.f32 v44, $-1.386294360e+00;
	v61 =	vnsel vm12, $0x0, v3;
	vm13 =	vgt.f32 v59, $-1.386294360e+00  }
0x15c: {  	v43 =	vld [tilespmem:s21+$0x8060];
	v59 =	vnsel vm0, $0x0, v12;
	vm0 =	vgt.f32 v51, $-1.386294360e+00;
	vm2 =	vgt.f32 v41, $-1.386294360e+00  }
0x15d: {  	v50 =	vld [tilespmem:s21+$0x8830];
	v47 =	vadd.f32 v38, v49;
	v62 =	vnsel vm11, $0x0, v11;
	vm3 =	vgt.f32 v56, $-1.386294360e+00  }
0x15e: {  	v44 =	vld [tilespmem:s21+$0x8820];
	v48 =	vnsel vm9, $0x0, v4;
	v41 =	vadd.f32 v57, v58;
	v53 =	vnsel vm2, $0x0, v20  }
0x15f: {  	v49 =	vld [tilespmem:s21+$0x8C40];
	vm2 =	vgt.f32 v63, $-1.386294360e+00;
	v38 =	vadd.f32 v62, v61;
	v63 =	vnsel vm13, $0x0, v10  }
0x160: {  	v46 =	vld [tilespmem:s21+$0x8860];
	v57 =	vadd.f32 v60, v42;
	v61 =	vnsel vm3, $0x0, v2;
	v60 =	vnsel vm2, $0x0, v1  }
0x161: {  	v62 =	vld [tilespmem:s21+$0x8460];
	vm2 =	vgt.f32 v43, $-1.386294360e+00;
	v43 =	vadd.f32 v63, v61;
	v36 =	vadd.f32 v41, v36  }
0x162: {  	v51 =	vld [tilespmem:s21+$0x8C60];
	v41 =	vadd.f32 v39, v60;
	v40 =	vnsel vm2, $0x0, v6;
	vm2 =	vgt.f32 v50, $-1.386294360e+00  }
0x163: {  	v63 =	vld [tilespmem:s21+$0x8810];
	v60 =	vadd.f32 v59, v48;
	vm3 =	vgt.f32 v44, $-1.386294360e+00;
	v39 =	vnsel vm2, $0x0, v19  }
0x164: {  	v42 =	vld [tilespmem:s21+$0x8C20];
	vm2 =	vgt.f32 v54, $-1.386294360e+00;
	vm14 =	vgt.f32 v49, $-1.386294360e+00;
	v45 =	vnsel vm3, $0x0, v18  }
0x165: {  	v50 =	vld [tilespmem:s21+$0x8C30];
	vm3 =	vgt.f32 v46, $-1.386294360e+00;
	v36 =	vadd.f32 v36, v47;
	v61 =	vnsel vm2, $0x0, v0  }
0x166: {  	v49 =	vld [tilespmem:s21+$0x8870];
	v47 =	vadd.f32 v53, v60;
	v58 =	vnsel vm14, $0x0, v28;
	vm15 =	vgt.f32 v62, $-1.386294360e+00  }
0x167: {  	v54 =	vld [tilespmem:s21+$0x8C70];
	v44 =	vnsel vm3, $0x0, v22;
	v56 =	vadd.f32 v52, v61;
	v62 =	vmul.f32 $3.814697270e-06, v36  }
0x168: {  	s20 =	sadd.s32 $0x1, s18;
	v46 =	vld [tilespmem:s21+$0x8C00];
	vm2 =	vgt.f32 v63, $-1.386294360e+00;
	v63 =	vnsel vm1, $0x0, v29;
	v55 =	vnsel vm15, $0x0, v14  }
0x169: {  	s25 =	simm.s32 $0x100;
	s22 =	simm.s32 $0x400;
	v53 =	vld [tilespmem:s21+$0x8C10];
	s21 =	sadd.s32 $0x1, s20;
	v47 =	vadd.f32 v58, v47;
	v48 =	vadd.f32 v63, v57;
	v52 =	vtrunc.f32 v62  }
.LBB2_5:
0x16a: {  	s23 =	smov.u32 s25  }
0x16b: {  	s24 =	sand.u32 $0x7000, s22;
	s26 =	sand.u32 $0x380, s25;
	v37 =	vadd.f32 v37, v56;
	vm1 =	vgt.f32 v49, $-1.386294360e+00;
	v49 =	vcvt.f32.s32 v52;
	s23 =	sadd.s32 $0x80, s25  }
0x16c: {  	p0 =	sne.s32 s25, $0x1F80;
	v52 =	vnsel vm2, $0x0, v17;
	s24 =	sor.u32 s26, s24;
	v56 =	vnsel vm1, $0x0, v23;
	vm1 =	vgt.f32 v50, $-1.386294360e+00  }
0x16d: {  	v43 =	vadd.f32 v45, v43;
	v41 =	vadd.f32 v52, v41;
	vm2 =	vgt.f32 v51, $-1.386294360e+00;
	v50 =	vld [tilespmem:s24+$0x8070]  }
0x16e: {  	v40 =	vadd.f32 v55, v40;
	vm3 =	vgt.f32 v46, $-1.386294360e+00;
	vm4 =	vgt.f32 v53, $-1.386294360e+00;
	v45 =	vld [tilespmem:s24+$0x8800]  }
0x16f: {  	v51 =	vnsel vm3, $0x0, v24;
	v52 =	vnsel vm2, $0x0, v30;
	vm2 =	vgt.f32 v54, $-1.386294360e+00;
	v46 =	vld [tilespmem:s24+$0x8C50]  }
0x170: {  	vm3 =	vgt.f32 v42, $-1.386294360e+00;
	v37 =	vadd.f32 v51, v37;
	v42 =	vnsel vm2, $0x0, v31;
	v53 =	vld [tilespmem:s24+$0x8400]  }
0x171: {  	v38 =	vadd.f32 v39, v38;
	v39 =	vnsel vm4, $0x0, v25;
	v54 =	vnsel vm3, $0x0, v26;
	v51 =	vld [tilespmem:s24+$0x8850]  }
0x172: {  	v49 =	vcvt.s32.f32 v49;
	v43 =	vadd.f32 v54, v43;
	vm2 =	vgt.f32 v50, $-1.386294360e+00;
	v50 =	vld [tilespmem:s24+$0x8450]  }
0x173: {  	v40 =	vadd.f32 v44, v40;
	v44 =	vnsel vm1, $0x0, v27;
	v54 =	vld [tilespmem:s24+$0x8050];
	vm3 =	vgt.f32 v45, $-1.386294360e+00  }
0x174: {  	s25 =	scvt.s32.f32 s18;
	s18 =	smov.u32 s20;
	s20 =	smov.u32 s21;
	v45 =	vld [tilespmem:s24+$0x8840];
	vm1 =	vgt.f32 v46, $-1.386294360e+00;
	v46 =	vadd.f32 v48, v47;
	v47 =	vmul.f32 $-2.621440000e+05, v49  }
0x175: {  	v38 =	vadd.f32 v44, v38;
	v34 =	vadd.f32 v49, v34;
	vm5 =	vgt.f32 v53, $-1.386294360e+00;
	v48 =	vld [tilespmem:s24+$0x8440]  }
0x176: {  	v49 =	vmul.f32 s25, v49;
	v44 =	vld [tilespmem:s24+$0x8040];
	vm4 =	vgt.f32 v51, $-1.386294360e+00;
	v51 =	vnsel vm0, $0x0, v15  }
0x177: {  	v36 =	vadd.f32 v47, v36;
	v53 =	vld [tilespmem:s24+$0x8430];
	vm0 =	vgt.f32 v50, $-1.386294360e+00;
	v35 =	vadd.f32 v51, v35  }
0x178: {  	v38 =	vadd.f32 v38, v43;
	v47 =	vld [tilespmem:s24+$0x8010];
	vm6 =	vgt.f32 v54, $-1.386294360e+00;
	v50 =	vnsel vm0, $0x0, v13  }
0x179: {  	v39 =	vadd.f32 v39, v41;
	v43 =	vnsel vm6, $0x0, v5;
	v51 =	vld [tilespmem:s24+$0x8410];
	v35 =	vadd.f32 v56, v35  }
0x17a: {  	v33 =	vadd.f32 v36, v33;
	vm6 =	vgt.f32 v45, $-1.386294360e+00;
	v41 =	vld [tilespmem:s24+$0x8030];
	vm0 =	vgt.f32 v48, $-1.386294360e+00  }
0x17b: {  	v36 =	vld [tilespmem:s24+$0x8020];
	vm7 =	vgt.f32 v44, $-1.386294360e+00;
	v42 =	vadd.f32 v42, v35;
	v35 =	vadd.f32 v39, v37  }
0x17c: {  	v40 =	vadd.f32 v52, v40;
	v32 =	vadd.f32 v49, v32;
	v37 =	vnsel vm3, $0x0, v16;
	v39 =	vld [tilespmem:s24+$0x8C40]  }
0x17d: {  	v48 =	vnsel vm5, $0x0, v8;
	v43 =	vadd.f32 v50, v43;
	v44 =	vld [tilespmem:s24+$0x8420];
	v50 =	vadd.f32 v38, v35  }
0x17e: {  	v49 =	vnsel vm4, $0x0, v21;
	vm5 =	vgt.f32 v53, $-1.386294360e+00;
	vm3 =	vgt.f32 v51, $-1.386294360e+00;
	v45 =	vld [tilespmem:s24+$0x8820]  }
0x17f: {  	v35 =	vnsel vm2, $0x0, v7;
	v40 =	vadd.f32 v42, v40;
	vm4 =	vgt.f32 v41, $-1.386294360e+00;
	v51 =	vld [tilespmem:s24+$0x8830]  }
0x180: {  	v52 =	vnsel vm6, $0x0, v20;
	v42 =	vnsel vm5, $0x0, v11;
	v38 =	vnsel vm4, $0x0, v3;
	v41 =	vld [tilespmem:s24+$0x8060]  }
0x181: {  	vm2 =	vgt.f32 v47, $-1.386294360e+00;
	v47 =	vnsel vm7, $0x0, v4;
	vm4 =	vgt.f32 v36, $-1.386294360e+00;
	v53 =	vld [tilespmem:s24+$0x8460]  }
0x182: {  	v36 =	vnsel vm3, $0x0, v9;
	v38 =	vadd.f32 v42, v38;
	vm3 =	vgt.f32 v44, $-1.386294360e+00;
	v42 =	vld [tilespmem:s24+$0x8860]  }
0x183: {  	v57 =	vadd.f32 v49, v43;
	v44 =	vnsel vm3, $0x0, v10;
	v54 =	vld [tilespmem:s24+$0x8470];
	vm3 =	vgt.f32 v39, $-1.386294360e+00  }
0x184: {  	v56 =	vadd.f32 v40, v46;
	v43 =	vnsel vm4, $0x0, v2;
	v39 =	vnsel vm2, $0x0, v1;
	v55 =	vld [tilespmem:s24+$0x8000]  }
0x185: {  	vm4 =	vgt.f32 v45, $-1.386294360e+00;
	vm2 =	vgt.f32 v41, $-1.386294360e+00;
	v41 =	vadd.f32 v36, v39;
	v49 =	vld [tilespmem:s24+$0x8870]  }
0x186: {  	v43 =	vadd.f32 v44, v43;
	v45 =	vnsel vm4, $0x0, v18;
	v40 =	vnsel vm2, $0x0, v6;
	v44 =	vld [tilespmem:s24+$0x8810]  }
0x187: {  	v58 =	vnsel vm3, $0x0, v28;
	vm2 =	vgt.f32 v51, $-1.386294360e+00;
	vm4 =	vgt.f32 v42, $-1.386294360e+00;
	v46 =	vld [tilespmem:s24+$0x8C00]  }
0x188: {  	v36 =	vadd.f32 v56, v50;
	v51 =	vnsel vm0, $0x0, v12;
	v39 =	vnsel vm2, $0x0, v19;
	v42 =	vld [tilespmem:s24+$0x8C20]  }
.Ltmp1:
0x189: {  	v47 =	vadd.f32 v51, v47;
	vm0 =	vgt.f32 v54, $-1.386294360e+00;
	vm2 =	vgt.f32 v55, $-1.386294360e+00;
	v50 =	vld [tilespmem:s24+$0x8C30];
	(pc) =	sbr.rel @p0 .LBB2_5-.Ltmp1, $4  }
0x18a: {  	vm3 =	vgt.f32 v53, $-1.386294360e+00;
	v55 =	vmul.f32 $3.814697270e-06, v36;
	v54 =	vnsel vm2, $0x0, v0;
	v51 =	vld [tilespmem:s24+$0x8C60]  }
0x18b: {  	v47 =	vadd.f32 v52, v47;
	vm2 =	vgt.f32 v44, $-1.386294360e+00;
	v44 =	vnsel vm4, $0x0, v22;
	v53 =	vld [tilespmem:s24+$0x8C10]  }
0x18c: {  	v56 =	vadd.f32 v48, v54;
	v48 =	vnsel vm1, $0x0, v29;
	v52 =	vtrunc.f32 v55;
	v54 =	vld [tilespmem:s24+$0x8C70]  }
0x18d: {  	s22 =	sadd.s32 $0x200, s22;
	s21 =	sadd.s32 $0x1, s21;
	s25 =	smov.u32 s23;
	v55 =	vnsel vm3, $0x0, v14;
	v47 =	vadd.f32 v58, v47;
	v48 =	vadd.f32 v48, v57  }
0x18e: {  	vm1 =	vgt.f32 v49, $-1.386294360e+00  }
0x18f: {  	v37 =	vadd.f32 v37, v56;
	v62 =	vnsel vm2, $0x0, v17;
	vm12 =	vgt.f32 v50, $-1.386294360e+00  }
0x190: {  	v43 =	vadd.f32 v45, v43;
	v40 =	vadd.f32 v55, v40;
	vm3 =	vgt.f32 v46, $-1.386294360e+00  }
0x191: {  	vm15 =	vgt.f32 v42, $-1.386294360e+00;
	v38 =	vadd.f32 v39, v38;
	v63 =	vnsel vm1, $0x0, v23  }
0x192: {  	v41 =	vadd.f32 v62, v41;
	vm13 =	vgt.f32 v51, $-1.386294360e+00;
	v49 =	vnsel vm3, $0x0, v24  }
0x193: {  	v51 =	vnsel vm0, $0x0, v15;
	v57 =	vnsel vm12, $0x0, v27;
	vm4 =	vgt.f32 v53, $-1.386294360e+00  }
0x194: {  	v50 =	vnsel vm13, $0x0, v30;
	v37 =	vadd.f32 v49, v37;
	v35 =	vadd.f32 v51, v35  }
0x195: {  	v53 =	vnsel vm15, $0x0, v26;
	v40 =	vadd.f32 v44, v40;
	v38 =	vadd.f32 v57, v38  }
0x196: {  	vm14 =	vgt.f32 v54, $-1.386294360e+00;
	v54 =	vnsel vm4, $0x0, v25;
	v35 =	vadd.f32 v63, v35  }
0x197: {  	v55 =	vadd.f32 v53, v43;
	v58 =	vnsel vm14, $0x0, v31;
	v39 =	vadd.f32 v54, v41  }
0x198: {  	v40 =	vadd.f32 v50, v40;
	v35 =	vadd.f32 v58, v35  }
0x199: {  	v59 =	vadd.f32 v48, v47;
	v38 =	vadd.f32 v38, v55  }
0x19a: {  	v37 =	vadd.f32 v39, v37;
	v35 =	vadd.f32 v35, v40;
	_ =	sdelay $0x1  }
0x19b: {  	v37 =	vadd.f32 v38, v37;
	v35 =	vadd.f32 v35, v59;
	_ =	sdelay $0x1  }
0x19c: {  	v35 =	vadd.f32 v35, v37;
	_ =	sdelay $0x1  }
0x19d: {  	v60 =	vcvt.f32.s32 v52;
	v37 =	vmul.f32 $3.814697270e-06, v35;
	_ =	sdelay $0x1  }
0x19e: {  	v38 =	vcvt.s32.f32 v60;
	v37 =	vtrunc.f32 v37  }
0x19f: {  	v37 =	vcvt.f32.s32 v37  }
0x1a0: {  	s19 =	sadd.s32 $0x2, s19;
	s18 =	scvt.s32.f32 s18;
	v61 =	vmul.f32 $-2.621440000e+05, v38  }
0x1a1: {  	s21 =	sand.u32 $0x6, s19;
	v37 =	vcvt.s32.f32 v37  }
0x1a2: {  	s31 =	scvt.s32.f32 s20;
	p0 =	sne.s32 s21, $0x0;
	v34 =	vadd.f32 v38, v34;
	v38 =	vmul.f32 s18, v38;
	v36 =	vadd.f32 v61, v36  }
0x1a3: {  	s19 =	sshrl.u32 @!p0 s19, $0x3;
	v62 =	vmul.f32 $-2.621440000e+05, v37  }
0x1a4: {  	p1 =	sne.s32 s17, $0x8;
	s19 =	smul.u32 @!p0 $0xC0, s19;
	v32 =	vadd.f32 v38, v32;
	v33 =	vadd.f32 v36, v33;
	v63 =	vmul.f32 s31, v37  }
.Ltmp2:
0x1a5: {  	v34 =	vadd.f32 v37, v34;
	v35 =	vadd.f32 v62, v35;
	(pc) =	sbr.rel @p1 .LBB2_2-.Ltmp2, $4  }
0x1a6: {  	s18 =	sshra.s32 @!p0 s19, $0x2;
	s19 =	simm.f32 @!p0 $0.0e+00;
	v32 =	vadd.f32 v63, v32  }
0x1a7: {  	s19 =	simm.f32 @p0 $1.000000000e+00;
	[tilespmem:s18+$0xFFD0] =	vst @!p0 v34;
	v33 =	vadd.f32 v35, v33  }
0x1a8: {  	v34 =	vmul.f32 s19, v34;
	[tilespmem:s18+$0xFFF0] =	vst @!p0 v32  }
0x1a9: {  	s16 =	sadd.s32 $0x1, s16;
	v32 =	vmul.f32 s19, v32;
	[tilespmem:s18+$0xFFE0] =	vst @!p0 v33;
	v33 =	vmul.f32 s19, v33  }
0x1aa: {  	s15 =	sadd.s32 $0x1, s15  }
0x1ab: {  	p0 =	sne.s32 s15, s10  }
.Ltmp3:
0x1ac: {  	_ = 	snop;
	(pc) =	sbr.rel @p0 .LBB2_1-.Ltmp3, $4  }
0x1ad: {  	[hbm4b:s7+s2] =	stream.linear.scatter [tilespmem:s13], [sflag:$0x3], $0x60, $0x38;
	[tilespmem:$0x10080] =	vst v63  }
0x1ae: {  	_ =	swait.ge [sflag:s14], $0x60  }
0x1af: {  	[sflag:s14] =	ssyncset.done $0x0  }
0x1b0: {  	[sflag:s14] =	ssyncadd.s32 $0xFFFFFFA0  }
0x1b1: {  	_ =	sfence.sel $0x180000  }
0x1b2: {  	[bflag:$0x0] =	sbarrier.arrive $0xFFFF  }
0x1b3: {  	p0 =	sne.s32 s3, $0x0;
	_ =	strace $0x90000047  }
0x1b4: {  	s0 =	sadd.s32 @!p0 $0x100000, s0;
	[bflag:$0x2] =	sbarrier.arrive $0xFFFF  }
0x1b5: {  	[sflag:s0] =	ssyncadd.tile.s32 @!p0 $0x1;
	_ =	shalt  }
.Lfunc_end2:
_tile_overlayer_lowered:
.L_overlay_start_2:
0x1b6: {  	(tag) =	ssettag $0x2  }
0x1b7: {  	s0 =	rddreg [dreg:$0x0];
	s2 =	stileid.u32  }
0x1b8: {  	s1 =	rddreg [dreg:$0x1];
	p0 =	sne.s32 s2, $0x0  }
0x1b9: {  	s3 =	rddreg [dreg:$0x2];
	[bflag:$0x3] =	sbarrier.arrive $0xFFFF;
	s2 =	simm.s32 @!p0 $0x1C03  }
0x1ba: {  	[timem:s3], [sflag:s2] =	dma.local @!p0 [hbm:s0], s1  }
0x1bb: {  	s0 =	simm.s32 @!p0 $0x3  }
0x1bc: {  	_ =	swait.ge @!p0 [sflag:s0], s1  }
0x1bd: {  	s1 =	ssub.s32 @!p0 $0x0, s1;
	[sflag:s0] =	ssyncset.done @!p0 $0x0  }
0x1be: {  	[sflag:s0] =	ssyncadd.s32 @!p0 s1  }
0x1bf: {  	[bflag:$0x3] =	sbarrier.arrive $0xFFFF  }
0x1c0: {  	_ =	shalt  }

</sc_bundles>
